<compile_context>
chip_gen: v7x
topology: tpu7x:2x2x1
jax: 0.10.2.dev20260603
libtpu: 0.0.44.dev20260713+nightly
codegen_flags: <defaults>
</compile_context>

<pallas_src>
import functools

import jax
import jax.numpy as jnp
import numpy as np
from jax import lax
from jax.experimental import pallas as pl
from jax.experimental.pallas import tpu as pltpu
from jax.experimental.pallas import tpu_sc as plsc

_ROWS = 128
_N = 32768
_L = 16
_NV = _N // _L
_Q = 4
_NVQ = _NV // _Q
_QSHIFT = 13
_SHIFTS = (0, 11, 22)
_MASKS = (0x7FF, 0x7FF, 0x3FF)
_RSIZE = (2048, 2048, 1024)
_RBITS = (11, 11, 10)
_NC = 2
_NS = 16
_ROWS_PER_W = _ROWS // (_NC * _NS)
_MININT = np.int32(-2147483648)


def _to_sortable(u):
    return u ^ (jnp.right_shift(u, 31) | _MININT)


def _from_sortable(u):
    return u ^ (jnp.right_shift(~u, 31) | _MININT)


def _digit(u, shift, mask):
    if shift:
        u = jnp.right_shift(u, np.int32(shift))
    return u & np.int32(mask)


def _last_lane(v):
    return lax.squeeze(lax.slice(v, (_L - 1,), (_L,)), (0,))


def _sort_body(x_hbm, out_hbm, a_v, b_v, o0, o1, o2, o3, nh_v):
    wid = lax.axis_index("s") * _NC + lax.axis_index("c")
    offs = (o0, o1, o2, o3)
    zeros = jnp.zeros((_L,), jnp.int32)
    ones = jnp.ones((_L,), jnp.int32)

    def do_row(r, _):
        row = wid * _ROWS_PER_W + r
        pltpu.sync_copy(x_hbm.at[row], a_v)

        def zero_nh(j, _):
            nh_v[pl.ds(j * _L, _L)] = zeros
            return 0

        lax.fori_loop(0, _Q * 2048 // _L, zero_nh, 0, unroll=8)

        def hist0(i, _):
            for q in range(_Q):
                sl = pl.ds((q * _NVQ + i) * _L, _L)
                u = plsc.bitcast(a_v[sl], jnp.int32)
                u = _to_sortable(u)
                a_v[sl] = plsc.bitcast(u, jnp.float32)
                d = _digit(u, _SHIFTS[0], _MASKS[0])
                plsc.addupdate_scatter(nh_v, [d + np.int32(q * _RSIZE[0])],
                                       ones)
            return 0

        lax.fori_loop(0, _NVQ, hist0, 0)

        for p in range(3):
            src, dst = (a_v, b_v) if p % 2 == 0 else (b_v, a_v)
            shift, mask, rsz = _SHIFTS[p], _MASKS[p], _RSIZE[p]

            def prefix(j, carry, rsz=rsz):
                sl = [pl.ds(q * rsz + j * _L, _L) for q in range(_Q)]
                v = [nh_v[s] for s in sl]
                t = (v[0] + v[1]) + (v[2] + v[3])
                c = plsc.cumsum(t)
                excl = c - t + carry
                jl = pl.ds(j * _L, _L)
                for q in range(_Q):
                    offs[q][jl] = excl
                    nh_v[sl[q]] = zeros
                    if q < _Q - 1:
                        excl = excl + v[q]
                return carry + _last_lane(c)

            lax.fori_loop(0, rsz // _L, prefix, jnp.int32(0), unroll=2)

            def permute(i, _, src=src, dst=dst, shift=shift, mask=mask,
                        p=p):
                us = [plsc.bitcast(src[pl.ds((q * _NVQ + i) * _L, _L)],
                                   jnp.int32) for q in range(_Q)]
                ds_ = [_digit(u, shift, mask) for u in us]
                scans = [plsc.scan_count(d) for d in ds_]
                bases = [plsc.load_gather(offs[q], [ds_[q]])
                         for q in range(_Q)]
                nxts = [bases[q] + scans[q][0] for q in range(_Q)]
                poss = [nxt - 1 for nxt in nxts]
                outs = [_from_sortable(u) if p == 2 else u for u in us]
                for q in range(_Q):
                    plsc.store_scatter(dst, [poss[q]],
                                       plsc.bitcast(outs[q], jnp.float32))
                    plsc.store_scatter(offs[q], [ds_[q]], nxts[q],
                                       mask=scans[q][1])
                if p < 2:
                    for q in range(_Q):
                        dn = _digit(us[q], _SHIFTS[p + 1], _MASKS[p + 1])
                        qn = jnp.left_shift(
                            jnp.right_shift(poss[q], np.int32(_QSHIFT)),
                            np.int32(_RBITS[p + 1]))
                        plsc.addupdate_scatter(nh_v, [qn + dn], ones)
                return 0

            lax.fori_loop(0, _NVQ, permute, 0)

        pltpu.sync_copy(b_v, out_hbm.at[row])
        return 0

    lax.fori_loop(0, _ROWS_PER_W, do_row, 0)


@jax.jit
def kernel(x):
    mesh = plsc.VectorSubcoreMesh(
        core_axis_name="c", subcore_axis_name="s", num_cores=_NC,
        num_subcores=_NS)
    run = pl.kernel(
        _sort_body,
        out_type=jax.ShapeDtypeStruct((_ROWS, _N), jnp.float32),
        mesh=mesh,
        scratch_types=[
            pltpu.VMEM((_N,), jnp.float32),
            pltpu.VMEM((_N,), jnp.float32),
        ] + [pltpu.VMEM((2048,), jnp.int32)] * 4
          + [pltpu.VMEM((_Q * 2048,), jnp.int32)],
        compiler_params=pltpu.CompilerParams(needs_layout_passes=False),
    )
    return run(x)

# --- scband reference (transcript-rebuilt; emitter-appended) ---
"""Pipeline reference for scband-model-71313636983371 (READ-ONLY COPY).

The authoritative reference and input builder live on the scoring server;
editing this copy changes nothing except your own understanding.
"""

import jax, jax.numpy as jnp
import numpy as np

def setup_inputs(seed: int = 0) -> dict:
    key = jax.random.key(seed)
    x = jax.random.normal(key, (128, 32768), dtype=jnp.float32)
    return {"x": x}

def reference(x):
    # torch.sort(x, dim=-1, descending=False) -> values
    values = jnp.sort(x, axis=-1)
    return values

if __name__ == "__main__":
    import jax
    _d = setup_inputs()
    print(jax.jit(kernel)(*tuple(_d.values())))

</pallas_src>

<mosaic_0001>
#map = affine_map<(d0, d1) -> (0, 0)>
module attributes {stable_mosaic.version = 14 : i64} {
  func.func @_sort_body(%arg0: i32, %arg1: i32, %arg2: memref<128x32768xf32, #tpu.memory_space<hbm>>, %arg3: memref<128x32768xf32, #tpu.memory_space<hbm>>, %arg4: memref<32768xf32, #tpu.memory_space<vmem>>, %arg5: memref<32768xf32, #tpu.memory_space<vmem>>, %arg6: memref<2048xi32, #tpu.memory_space<vmem>>, %arg7: memref<2048xi32, #tpu.memory_space<vmem>>, %arg8: memref<2048xi32, #tpu.memory_space<vmem>>, %arg9: memref<2048xi32, #tpu.memory_space<vmem>>, %arg10: memref<8192xi32, #tpu.memory_space<vmem>>) attributes {dimension_semantics = [#tpu.dimension_semantics<core_parallel>, #tpu.dimension_semantics<subcore_parallel>], iteration_bounds = array<i64: 2, 16>, scalar_prefetch = 0 : i64, scratch_operands = 7 : i64, tpu.core_type = #tpu.core_type<sc_vector_subcore>, window_params = [{transform_indices = #map}, {transform_indices = #map}]} {
    %mul3A = arith.constant 2 : i32
    %mul3A_0 = arith.muli %arg1, %mul3A : i32
    %add3A = arith.addi %mul3A_0, %arg0 : i32
    %broadcast_in_dim3A = arith.constant 0 : i32
    %broadcast_in_dim3A_1 = vector.broadcast %broadcast_in_dim3A : i32 to vector<16xi32>
    %broadcast_in_dim3A_2 = arith.constant 1 : i32
    %broadcast_in_dim3A_3 = vector.broadcast %broadcast_in_dim3A_2 : i32 to vector<16xi32>
    %scan3A = arith.constant 0 : i32
    %scan3A_4 = arith.constant 0 : i32
    %scan3A_5 = arith.constant 4 : i32
    %scan3A_6 = arith.addi %scan3A_4, %scan3A_5 : i32
    %scan3A_7 = arith.constant 1 : i32
    %scan3A_8 = scf.for %scan3A_10 = %scan3A_4 to %scan3A_6 step %scan3A_7 iter_args(%scan3A_11 = %scan3A) -> (i32)  : i32 {
      %mul3A_12 = arith.constant 4 : i32
      %mul3A_13 = arith.muli %add3A, %mul3A_12 : i32
      %add3A_14 = arith.addi %mul3A_13, %scan3A_10 : i32
      "tpu.region"() ({
        %run_scoped3A = tpu.sem_alloc : memref<!tpu.dma_semaphore, #tpu.memory_space<semaphore_mem>>
        %dma_start3A = arith.constant 0 : i32
        %dma_start3A_72 = tpu.memref_slice %arg2[%add3A_14, %dma_start3A] : memref<128x32768xf32, #tpu.memory_space<hbm>> -> memref<1x32768xf32, #tpu.memory_space<hbm>>
        %dma_start3A_73 = tpu.memref_squeeze %dma_start3A_72 : memref<1x32768xf32, #tpu.memory_space<hbm>> -> memref<32768xf32, #tpu.memory_space<hbm>>
        %dma_start3A_74 = arith.constant 0 : i32
        %dma_start3A_75 = tpu.memref_slice %arg2[%add3A_14, %dma_start3A_74] : memref<128x32768xf32, #tpu.memory_space<hbm>> -> memref<1x32768xf32, #tpu.memory_space<hbm>>
        %dma_start3A_76 = tpu.memref_squeeze %dma_start3A_75 : memref<1x32768xf32, #tpu.memory_space<hbm>> -> memref<32768xf32, #tpu.memory_space<hbm>>
        tpu.enqueue_dma source(%dma_start3A_76 : memref<32768xf32, #tpu.memory_space<hbm>>) target(%arg4 : memref<32768xf32, #tpu.memory_space<vmem>>) target_semaphore(%run_scoped3A : memref<!tpu.dma_semaphore, #tpu.memory_space<semaphore_mem>>)
        %dma_wait3A = arith.constant 0 : i32
        %dma_wait3A_77 = tpu.memref_slice %arg2[%add3A_14, %dma_wait3A] : memref<128x32768xf32, #tpu.memory_space<hbm>> -> memref<1x32768xf32, #tpu.memory_space<hbm>>
        %dma_wait3A_78 = tpu.memref_squeeze %dma_wait3A_77 : memref<1x32768xf32, #tpu.memory_space<hbm>> -> memref<32768xf32, #tpu.memory_space<hbm>>
        %dma_wait3A_79 = arith.constant 0 : i32
        %dma_wait3A_80 = tpu.memref_slice %arg2[%add3A_14, %dma_wait3A_79] : memref<128x32768xf32, #tpu.memory_space<hbm>> -> memref<1x32768xf32, #tpu.memory_space<hbm>>
        %dma_wait3A_81 = tpu.memref_squeeze %dma_wait3A_80 : memref<1x32768xf32, #tpu.memory_space<hbm>> -> memref<32768xf32, #tpu.memory_space<hbm>>
        tpu.wait_dma2 semaphore(%run_scoped3A : memref<!tpu.dma_semaphore, #tpu.memory_space<semaphore_mem>>) src(%dma_wait3A_81 : memref<32768xf32, #tpu.memory_space<hbm>>) dst(%arg4 : memref<32768xf32, #tpu.memory_space<vmem>>)
        tpu.yield
      }) : () -> ()
      %scan3A_15 = arith.constant 0 : i32
      %scan3A_16 = arith.constant 0 : i32
      %scan3A_17 = arith.constant 512 : i32
      %scan3A_18 = arith.addi %scan3A_16, %scan3A_17 : i32
      %scan3A_19 = arith.constant 8 : i32
      %scan3A_20 = scf.for %scan3A_72 = %scan3A_16 to %scan3A_18 step %scan3A_19 iter_args(%scan3A_73 = %scan3A_15) -> (i32)  : i32 {
        %mul3A_74 = arith.constant 16 : i32
        %mul3A_75 = arith.muli %scan3A_72, %mul3A_74 : i32
        %swap3A = arith.index_cast %mul3A_75 : i32 to index
        %swap3A_76 = tpu.vector_load %arg10[%swap3A] {strides = array<i32>} : memref<8192xi32, #tpu.memory_space<vmem>>, vector<16xi32>,
        tpu.vector_store %arg10[%swap3A], %broadcast_in_dim3A_1 {strides = array<i32>} : memref<8192xi32, #tpu.memory_space<vmem>>, vector<16xi32>,
        %scan3A_77 = arith.constant 0 : i32
        %scan3A_78 = arith.constant 1 : i32
        %scan3A_79 = arith.addi %scan3A_72, %scan3A_78 : i32
        %mul3A_80 = arith.constant 16 : i32
        %mul3A_81 = arith.muli %scan3A_79, %mul3A_80 : i32
        %swap3A_82 = arith.index_cast %mul3A_81 : i32 to index
        %swap3A_83 = tpu.vector_load %arg10[%swap3A_82] {strides = array<i32>} : memref<8192xi32, #tpu.memory_space<vmem>>, vector<16xi32>,
        tpu.vector_store %arg10[%swap3A_82], %broadcast_in_dim3A_1 {strides = array<i32>} : memref<8192xi32, #tpu.memory_space<vmem>>, vector<16xi32>,
        %scan3A_84 = arith.constant 0 : i32
        %scan3A_85 = arith.constant 2 : i32
        %scan3A_86 = arith.addi %scan3A_72, %scan3A_85 : i32
        %mul3A_87 = arith.constant 16 : i32
        %mul3A_88 = arith.muli %scan3A_86, %mul3A_87 : i32
        %swap3A_89 = arith.index_cast %mul3A_88 : i32 to index
        %swap3A_90 = tpu.vector_load %arg10[%swap3A_89] {strides = array<i32>} : memref<8192xi32, #tpu.memory_space<vmem>>, vector<16xi32>,
        tpu.vector_store %arg10[%swap3A_89], %broadcast_in_dim3A_1 {strides = array<i32>} : memref<8192xi32, #tpu.memory_space<vmem>>, vector<16xi32>,
        %scan3A_91 = arith.constant 0 : i32
        %scan3A_92 = arith.constant 3 : i32
        %scan3A_93 = arith.addi %scan3A_72, %scan3A_92 : i32
        %mul3A_94 = arith.constant 16 : i32
        %mul3A_95 = arith.muli %scan3A_93, %mul3A_94 : i32
        %swap3A_96 = arith.index_cast %mul3A_95 : i32 to index
        %swap3A_97 = tpu.vector_load %arg10[%swap3A_96] {strides = array<i32>} : memref<8192xi32, #tpu.memory_space<vmem>>, vector<16xi32>,
        tpu.vector_store %arg10[%swap3A_96], %broadcast_in_dim3A_1 {strides = array<i32>} : memref<8192xi32, #tpu.memory_space<vmem>>, vector<16xi32>,
        %scan3A_98 = arith.constant 0 : i32
        %scan3A_99 = arith.constant 4 : i32
        %scan3A_100 = arith.addi %scan3A_72, %scan3A_99 : i32
        %mul3A_101 = arith.constant 16 : i32
        %mul3A_102 = arith.muli %scan3A_100, %mul3A_101 : i32
        %swap3A_103 = arith.index_cast %mul3A_102 : i32 to index
        %swap3A_104 = tpu.vector_load %arg10[%swap3A_103] {strides = array<i32>} : memref<8192xi32, #tpu.memory_space<vmem>>, vector<16xi32>,
        tpu.vector_store %arg10[%swap3A_103], %broadcast_in_dim3A_1 {strides = array<i32>} : memref<8192xi32, #tpu.memory_space<vmem>>, vector<16xi32>,
        %scan3A_105 = arith.constant 0 : i32
        %scan3A_106 = arith.constant 5 : i32
        %scan3A_107 = arith.addi %scan3A_72, %scan3A_106 : i32
        %mul3A_108 = arith.constant 16 : i32
        %mul3A_109 = arith.muli %scan3A_107, %mul3A_108 : i32
        %swap3A_110 = arith.index_cast %mul3A_109 : i32 to index
        %swap3A_111 = tpu.vector_load %arg10[%swap3A_110] {strides = array<i32>} : memref<8192xi32, #tpu.memory_space<vmem>>, vector<16xi32>,
        tpu.vector_store %arg10[%swap3A_110], %broadcast_in_dim3A_1 {strides = array<i32>} : memref<8192xi32, #tpu.memory_space<vmem>>, vector<16xi32>,
        %scan3A_112 = arith.constant 0 : i32
        %scan3A_113 = arith.constant 6 : i32
        %scan3A_114 = arith.addi %scan3A_72, %scan3A_113 : i32
        %mul3A_115 = arith.constant 16 : i32
        %mul3A_116 = arith.muli %scan3A_114, %mul3A_115 : i32
        %swap3A_117 = arith.index_cast %mul3A_116 : i32 to index
        %swap3A_118 = tpu.vector_load %arg10[%swap3A_117] {strides = array<i32>} : memref<8192xi32, #tpu.memory_space<vmem>>, vector<16xi32>,
        tpu.vector_store %arg10[%swap3A_117], %broadcast_in_dim3A_1 {strides = array<i32>} : memref<8192xi32, #tpu.memory_space<vmem>>, vector<16xi32>,
        %scan3A_119 = arith.constant 0 : i32
        %scan3A_120 = arith.constant 7 : i32
        %scan3A_121 = arith.addi %scan3A_72, %scan3A_120 : i32
        %mul3A_122 = arith.constant 16 : i32
        %mul3A_123 = arith.muli %scan3A_121, %mul3A_122 : i32
        %swap3A_124 = arith.index_cast %mul3A_123 : i32 to index
        %swap3A_125 = tpu.vector_load %arg10[%swap3A_124] {strides = array<i32>} : memref<8192xi32, #tpu.memory_space<vmem>>, vector<16xi32>,
        tpu.vector_store %arg10[%swap3A_124], %broadcast_in_dim3A_1 {strides = array<i32>} : memref<8192xi32, #tpu.memory_space<vmem>>, vector<16xi32>,
        %scan3A_126 = arith.constant 0 : i32
        scf.yield %scan3A_126 : i32
      }
      %scan3A_21 = arith.constant 512 : i32
      %scan3A_22 = arith.constant 0 : i32
      %scan3A_23 = arith.constant 0 : i32
      %scan3A_24 = arith.constant 512 : i32
      %scan3A_25 = arith.addi %scan3A_23, %scan3A_24 : i32
      %scan3A_26 = arith.constant 1 : i32
      %scan3A_27 = scf.for %scan3A_72 = %scan3A_23 to %scan3A_25 step %scan3A_26 iter_args(%scan3A_73 = %scan3A_22) -> (i32)  : i32 {
        %add3A_74 = arith.constant 0 : i32
        %add3A_75 = arith.addi %add3A_74, %scan3A_72 : i32
        %mul3A_76 = arith.constant 16 : i32
        %mul3A_77 = arith.muli %add3A_75, %mul3A_76 : i32
        %get3A = arith.index_cast %mul3A_77 : i32 to index
        %get3A_78 = tpu.vector_load %arg4[%get3A] {strides = array<i32>} : memref<32768xf32, #tpu.memory_space<vmem>>, vector<16xf32>,
        %bitcast3A = vector.bitcast %get3A_78 : vector<16xf32> to vector<16xi32>
        %shift_right_arithmetic3A = arith.constant 31 : i32
        %shift_right_arithmetic3A_79 = vector.broadcast %shift_right_arithmetic3A : i32 to vector<16xi32>
        %shift_right_arithmetic3A_80 = arith.shrsi %bitcast3A, %shift_right_arithmetic3A_79 : vector<16xi32>
        %or3A = arith.constant -2147483648 : i32
        %or3A_81 = vector.broadcast %or3A : i32 to vector<16xi32>
        %or3A_82 = arith.ori %shift_right_arithmetic3A_80, %or3A_81 : vector<16xi32>
        %xor3A = arith.xori %bitcast3A, %or3A_82 : vector<16xi32>
        %bitcast3A_83 = vector.bitcast %xor3A : vector<16xi32> to vector<16xf32>
        %swap3A = arith.index_cast %mul3A_77 : i32 to index
        %swap3A_84 = tpu.vector_load %arg4[%swap3A] {strides = array<i32>} : memref<32768xf32, #tpu.memory_space<vmem>>, vector<16xf32>,
        tpu.vector_store %arg4[%swap3A], %bitcast3A_83 {strides = array<i32>} : memref<32768xf32, #tpu.memory_space<vmem>>, vector<16xf32>,
        %and3A = arith.constant 2047 : i32
        %and3A_85 = vector.broadcast %and3A : i32 to vector<16xi32>
        %and3A_86 = arith.andi %xor3A, %and3A_85 : vector<16xi32>
        %add3A_87 = arith.constant 0 : i32
        %add3A_88 = vector.broadcast %add3A_87 : i32 to vector<16xi32>
        %add3A_89 = arith.addi %and3A_86, %add3A_88 : vector<16xi32>
        tpu.vector_store_idx %arg10[%add3A_89], %broadcast_in_dim3A_3 {add = true} : memref<8192xi32, #tpu.memory_space<vmem>>[vector<16xi32>], vector<16xi32>,
        %add3A_90 = arith.constant 512 : i32
        %add3A_91 = arith.addi %add3A_90, %scan3A_72 : i32
        %mul3A_92 = arith.constant 16 : i32
        %mul3A_93 = arith.muli %add3A_91, %mul3A_92 : i32
        %get3A_94 = arith.index_cast %mul3A_93 : i32 to index
        %get3A_95 = tpu.vector_load %arg4[%get3A_94] {strides = array<i32>} : memref<32768xf32, #tpu.memory_space<vmem>>, vector<16xf32>,
        %bitcast3A_96 = vector.bitcast %get3A_95 : vector<16xf32> to vector<16xi32>
        %shift_right_arithmetic3A_97 = arith.constant 31 : i32
        %shift_right_arithmetic3A_98 = vector.broadcast %shift_right_arithmetic3A_97 : i32 to vector<16xi32>
        %shift_right_arithmetic3A_99 = arith.shrsi %bitcast3A_96, %shift_right_arithmetic3A_98 : vector<16xi32>
        %or3A_100 = arith.constant -2147483648 : i32
        %or3A_101 = vector.broadcast %or3A_100 : i32 to vector<16xi32>
        %or3A_102 = arith.ori %shift_right_arithmetic3A_99, %or3A_101 : vector<16xi32>
        %xor3A_103 = arith.xori %bitcast3A_96, %or3A_102 : vector<16xi32>
        %bitcast3A_104 = vector.bitcast %xor3A_103 : vector<16xi32> to vector<16xf32>
        %swap3A_105 = arith.index_cast %mul3A_93 : i32 to index
        %swap3A_106 = tpu.vector_load %arg4[%swap3A_105] {strides = array<i32>} : memref<32768xf32, #tpu.memory_space<vmem>>, vector<16xf32>,
        tpu.vector_store %arg4[%swap3A_105], %bitcast3A_104 {strides = array<i32>} : memref<32768xf32, #tpu.memory_space<vmem>>, vector<16xf32>,
        %and3A_107 = arith.constant 2047 : i32
        %and3A_108 = vector.broadcast %and3A_107 : i32 to vector<16xi32>
        %and3A_109 = arith.andi %xor3A_103, %and3A_108 : vector<16xi32>
        %add3A_110 = arith.constant 2048 : i32
        %add3A_111 = vector.broadcast %add3A_110 : i32 to vector<16xi32>
        %add3A_112 = arith.addi %and3A_109, %add3A_111 : vector<16xi32>
        tpu.vector_store_idx %arg10[%add3A_112], %broadcast_in_dim3A_3 {add = true} : memref<8192xi32, #tpu.memory_space<vmem>>[vector<16xi32>], vector<16xi32>,
        %add3A_113 = arith.constant 1024 : i32
        %add3A_114 = arith.addi %add3A_113, %scan3A_72 : i32
        %mul3A_115 = arith.constant 16 : i32
        %mul3A_116 = arith.muli %add3A_114, %mul3A_115 : i32
        %get3A_117 = arith.index_cast %mul3A_116 : i32 to index
        %get3A_118 = tpu.vector_load %arg4[%get3A_117] {strides = array<i32>} : memref<32768xf32, #tpu.memory_space<vmem>>, vector<16xf32>,
        %bitcast3A_119 = vector.bitcast %get3A_118 : vector<16xf32> to vector<16xi32>
        %shift_right_arithmetic3A_120 = arith.constant 31 : i32
        %shift_right_arithmetic3A_121 = vector.broadcast %shift_right_arithmetic3A_120 : i32 to vector<16xi32>
        %shift_right_arithmetic3A_122 = arith.shrsi %bitcast3A_119, %shift_right_arithmetic3A_121 : vector<16xi32>
        %or3A_123 = arith.constant -2147483648 : i32
        %or3A_124 = vector.broadcast %or3A_123 : i32 to vector<16xi32>
        %or3A_125 = arith.ori %shift_right_arithmetic3A_122, %or3A_124 : vector<16xi32>
        %xor3A_126 = arith.xori %bitcast3A_119, %or3A_125 : vector<16xi32>
        %bitcast3A_127 = vector.bitcast %xor3A_126 : vector<16xi32> to vector<16xf32>
        %swap3A_128 = arith.index_cast %mul3A_116 : i32 to index
        %swap3A_129 = tpu.vector_load %arg4[%swap3A_128] {strides = array<i32>} : memref<32768xf32, #tpu.memory_space<vmem>>, vector<16xf32>,
        tpu.vector_store %arg4[%swap3A_128], %bitcast3A_127 {strides = array<i32>} : memref<32768xf32, #tpu.memory_space<vmem>>, vector<16xf32>,
        %and3A_130 = arith.constant 2047 : i32
        %and3A_131 = vector.broadcast %and3A_130 : i32 to vector<16xi32>
        %and3A_132 = arith.andi %xor3A_126, %and3A_131 : vector<16xi32>
        %add3A_133 = arith.constant 4096 : i32
        %add3A_134 = vector.broadcast %add3A_133 : i32 to vector<16xi32>
        %add3A_135 = arith.addi %and3A_132, %add3A_134 : vector<16xi32>
        tpu.vector_store_idx %arg10[%add3A_135], %broadcast_in_dim3A_3 {add = true} : memref<8192xi32, #tpu.memory_space<vmem>>[vector<16xi32>], vector<16xi32>,
        %add3A_136 = arith.constant 1536 : i32
        %add3A_137 = arith.addi %add3A_136, %scan3A_72 : i32
        %mul3A_138 = arith.constant 16 : i32
        %mul3A_139 = arith.muli %add3A_137, %mul3A_138 : i32
        %get3A_140 = arith.index_cast %mul3A_139 : i32 to index
        %get3A_141 = tpu.vector_load %arg4[%get3A_140] {strides = array<i32>} : memref<32768xf32, #tpu.memory_space<vmem>>, vector<16xf32>,
        %bitcast3A_142 = vector.bitcast %get3A_141 : vector<16xf32> to vector<16xi32>
        %shift_right_arithmetic3A_143 = arith.constant 31 : i32
        %shift_right_arithmetic3A_144 = vector.broadcast %shift_right_arithmetic3A_143 : i32 to vector<16xi32>
        %shift_right_arithmetic3A_145 = arith.shrsi %bitcast3A_142, %shift_right_arithmetic3A_144 : vector<16xi32>
        %or3A_146 = arith.constant -2147483648 : i32
        %or3A_147 = vector.broadcast %or3A_146 : i32 to vector<16xi32>
        %or3A_148 = arith.ori %shift_right_arithmetic3A_145, %or3A_147 : vector<16xi32>
        %xor3A_149 = arith.xori %bitcast3A_142, %or3A_148 : vector<16xi32>
        %bitcast3A_150 = vector.bitcast %xor3A_149 : vector<16xi32> to vector<16xf32>
        %swap3A_151 = arith.index_cast %mul3A_139 : i32 to index
        %swap3A_152 = tpu.vector_load %arg4[%swap3A_151] {strides = array<i32>} : memref<32768xf32, #tpu.memory_space<vmem>>, vector<16xf32>,
        tpu.vector_store %arg4[%swap3A_151], %bitcast3A_150 {strides = array<i32>} : memref<32768xf32, #tpu.memory_space<vmem>>, vector<16xf32>,
        %and3A_153 = arith.constant 2047 : i32
        %and3A_154 = vector.broadcast %and3A_153 : i32 to vector<16xi32>
        %and3A_155 = arith.andi %xor3A_149, %and3A_154 : vector<16xi32>
        %add3A_156 = arith.constant 6144 : i32
        %add3A_157 = vector.broadcast %add3A_156 : i32 to vector<16xi32>
        %add3A_158 = arith.addi %and3A_155, %add3A_157 : vector<16xi32>
        tpu.vector_store_idx %arg10[%add3A_158], %broadcast_in_dim3A_3 {add = true} : memref<8192xi32, #tpu.memory_space<vmem>>[vector<16xi32>], vector<16xi32>,
        %scan3A_159 = arith.constant 0 : i32
        scf.yield %scan3A_159 : i32
      }
      %scan3A_28 = arith.constant 512 : i32
      %scan3A_29 = arith.constant 0 : i32
      %scan3A_30 = arith.constant 0 : i32
      %scan3A_31 = arith.constant 128 : i32
      %scan3A_32 = arith.addi %scan3A_30, %scan3A_31 : i32
      %scan3A_33 = arith.constant 2 : i32
      %scan3A_34 = scf.for %scan3A_72 = %scan3A_30 to %scan3A_32 step %scan3A_33 iter_args(%scan3A_73 = %scan3A_29) -> (i32)  : i32 {
        %mul3A_74 = arith.constant 16 : i32
        %mul3A_75 = arith.muli %scan3A_72, %mul3A_74 : i32
        %add3A_76 = arith.constant 0 : i32
        %add3A_77 = arith.addi %add3A_76, %mul3A_75 : i32
        %mul3A_78 = arith.constant 16 : i32
        %mul3A_79 = arith.muli %scan3A_72, %mul3A_78 : i32
        %add3A_80 = arith.constant 2048 : i32
        %add3A_81 = arith.addi %add3A_80, %mul3A_79 : i32
        %mul3A_82 = arith.constant 16 : i32
        %mul3A_83 = arith.muli %scan3A_72, %mul3A_82 : i32
        %add3A_84 = arith.constant 4096 : i32
        %add3A_85 = arith.addi %add3A_84, %mul3A_83 : i32
        %mul3A_86 = arith.constant 16 : i32
        %mul3A_87 = arith.muli %scan3A_72, %mul3A_86 : i32
        %add3A_88 = arith.constant 6144 : i32
        %add3A_89 = arith.addi %add3A_88, %mul3A_87 : i32
        %get3A = arith.index_cast %add3A_77 : i32 to index
        %get3A_90 = tpu.vector_load %arg10[%get3A] {strides = array<i32>} : memref<8192xi32, #tpu.memory_space<vmem>>, vector<16xi32>,
        %get3A_91 = arith.index_cast %add3A_81 : i32 to index
        %get3A_92 = tpu.vector_load %arg10[%get3A_91] {strides = array<i32>} : memref<8192xi32, #tpu.memory_space<vmem>>, vector<16xi32>,
        %get3A_93 = arith.index_cast %add3A_85 : i32 to index
        %get3A_94 = tpu.vector_load %arg10[%get3A_93] {strides = array<i32>} : memref<8192xi32, #tpu.memory_space<vmem>>, vector<16xi32>,
        %get3A_95 = arith.index_cast %add3A_89 : i32 to index
        %get3A_96 = tpu.vector_load %arg10[%get3A_95] {strides = array<i32>} : memref<8192xi32, #tpu.memory_space<vmem>>, vector<16xi32>,
        %add3A_97 = arith.addi %get3A_90, %get3A_92 : vector<16xi32>
        %add3A_98 = arith.addi %get3A_94, %get3A_96 : vector<16xi32>
        %add3A_99 = arith.addi %add3A_97, %add3A_98 : vector<16xi32>
        %broadcast_in_dim3A_100 = arith.constant true
        %broadcast_in_dim3A_101 = vector.broadcast %broadcast_in_dim3A_100 : i1 to vector<16xi1>
        %masked_cumsum3A = tpu.scan <sum>, %add3A_99 masked %broadcast_in_dim3A_101 : vector<16xi32>, vector<16xi1> -> vector<16xi32>
        %sub3A = arith.subi %masked_cumsum3A, %add3A_99 : vector<16xi32>
        %add3A_102 = vector.broadcast %scan3A_73 : i32 to vector<16xi32>
        %add3A_103 = arith.addi %sub3A, %add3A_102 : vector<16xi32>
        %mul3A_104 = arith.constant 16 : i32
        %mul3A_105 = arith.muli %scan3A_72, %mul3A_104 : i32
        %swap3A = arith.index_cast %mul3A_105 : i32 to index
        %swap3A_106 = tpu.vector_load %arg6[%swap3A] {strides = array<i32>} : memref<2048xi32, #tpu.memory_space<vmem>>, vector<16xi32>,
        tpu.vector_store %arg6[%swap3A], %add3A_103 {strides = array<i32>} : memref<2048xi32, #tpu.memory_space<vmem>>, vector<16xi32>,
        %swap3A_107 = arith.index_cast %add3A_77 : i32 to index
        %swap3A_108 = tpu.vector_load %arg10[%swap3A_107] {strides = array<i32>} : memref<8192xi32, #tpu.memory_space<vmem>>, vector<16xi32>,
        tpu.vector_store %arg10[%swap3A_107], %broadcast_in_dim3A_1 {strides = array<i32>} : memref<8192xi32, #tpu.memory_space<vmem>>, vector<16xi32>,
        %add3A_109 = arith.addi %add3A_103, %get3A_90 : vector<16xi32>
        %swap3A_110 = arith.index_cast %mul3A_105 : i32 to index
        %swap3A_111 = tpu.vector_load %arg7[%swap3A_110] {strides = array<i32>} : memref<2048xi32, #tpu.memory_space<vmem>>, vector<16xi32>,
        tpu.vector_store %arg7[%swap3A_110], %add3A_109 {strides = array<i32>} : memref<2048xi32, #tpu.memory_space<vmem>>, vector<16xi32>,
        %swap3A_112 = arith.index_cast %add3A_81 : i32 to index
        %swap3A_113 = tpu.vector_load %arg10[%swap3A_112] {strides = array<i32>} : memref<8192xi32, #tpu.memory_space<vmem>>, vector<16xi32>,
        tpu.vector_store %arg10[%swap3A_112], %broadcast_in_dim3A_1 {strides = array<i32>} : memref<8192xi32, #tpu.memory_space<vmem>>, vector<16xi32>,
        %add3A_114 = arith.addi %add3A_109, %get3A_92 : vector<16xi32>
        %swap3A_115 = arith.index_cast %mul3A_105 : i32 to index
        %swap3A_116 = tpu.vector_load %arg8[%swap3A_115] {strides = array<i32>} : memref<2048xi32, #tpu.memory_space<vmem>>, vector<16xi32>,
        tpu.vector_store %arg8[%swap3A_115], %add3A_114 {strides = array<i32>} : memref<2048xi32, #tpu.memory_space<vmem>>, vector<16xi32>,
        %swap3A_117 = arith.index_cast %add3A_85 : i32 to index
        %swap3A_118 = tpu.vector_load %arg10[%swap3A_117] {strides = array<i32>} : memref<8192xi32, #tpu.memory_space<vmem>>, vector<16xi32>,
        tpu.vector_store %arg10[%swap3A_117], %broadcast_in_dim3A_1 {strides = array<i32>} : memref<8192xi32, #tpu.memory_space<vmem>>, vector<16xi32>,
        %add3A_119 = arith.addi %add3A_114, %get3A_94 : vector<16xi32>
        %swap3A_120 = arith.index_cast %mul3A_105 : i32 to index
        %swap3A_121 = tpu.vector_load %arg9[%swap3A_120] {strides = array<i32>} : memref<2048xi32, #tpu.memory_space<vmem>>, vector<16xi32>,
        tpu.vector_store %arg9[%swap3A_120], %add3A_119 {strides = array<i32>} : memref<2048xi32, #tpu.memory_space<vmem>>, vector<16xi32>,
        %swap3A_122 = arith.index_cast %add3A_89 : i32 to index
        %swap3A_123 = tpu.vector_load %arg10[%swap3A_122] {strides = array<i32>} : memref<8192xi32, #tpu.memory_space<vmem>>, vector<16xi32>,
        tpu.vector_store %arg10[%swap3A_122], %broadcast_in_dim3A_1 {strides = array<i32>} : memref<8192xi32, #tpu.memory_space<vmem>>, vector<16xi32>,
        %slice3A = vector.extract_strided_slice %masked_cumsum3A {offsets = [15], sizes = [1], strides = [1]} : vector<16xi32> to vector<1xi32>
        %squeeze3A = vector.extract %slice3A[0] : i32 from vector<1xi32>
        %add3A_124 = arith.addi %scan3A_73, %squeeze3A : i32
        %scan3A_125 = arith.constant 1 : i32
        %scan3A_126 = arith.addi %scan3A_72, %scan3A_125 : i32
        %mul3A_127 = arith.constant 16 : i32
        %mul3A_128 = arith.muli %scan3A_126, %mul3A_127 : i32
        %add3A_129 = arith.constant 0 : i32
        %add3A_130 = arith.addi %add3A_129, %mul3A_128 : i32
        %mul3A_131 = arith.constant 16 : i32
        %mul3A_132 = arith.muli %scan3A_126, %mul3A_131 : i32
        %add3A_133 = arith.constant 2048 : i32
        %add3A_134 = arith.addi %add3A_133, %mul3A_132 : i32
        %mul3A_135 = arith.constant 16 : i32
        %mul3A_136 = arith.muli %scan3A_126, %mul3A_135 : i32
        %add3A_137 = arith.constant 4096 : i32
        %add3A_138 = arith.addi %add3A_137, %mul3A_136 : i32
        %mul3A_139 = arith.constant 16 : i32
        %mul3A_140 = arith.muli %scan3A_126, %mul3A_139 : i32
        %add3A_141 = arith.constant 6144 : i32
        %add3A_142 = arith.addi %add3A_141, %mul3A_140 : i32
        %get3A_143 = arith.index_cast %add3A_130 : i32 to index
        %get3A_144 = tpu.vector_load %arg10[%get3A_143] {strides = array<i32>} : memref<8192xi32, #tpu.memory_space<vmem>>, vector<16xi32>,
        %get3A_145 = arith.index_cast %add3A_134 : i32 to index
        %get3A_146 = tpu.vector_load %arg10[%get3A_145] {strides = array<i32>} : memref<8192xi32, #tpu.memory_space<vmem>>, vector<16xi32>,
        %get3A_147 = arith.index_cast %add3A_138 : i32 to index
        %get3A_148 = tpu.vector_load %arg10[%get3A_147] {strides = array<i32>} : memref<8192xi32, #tpu.memory_space<vmem>>, vector<16xi32>,
        %get3A_149 = arith.index_cast %add3A_142 : i32 to index
        %get3A_150 = tpu.vector_load %arg10[%get3A_149] {strides = array<i32>} : memref<8192xi32, #tpu.memory_space<vmem>>, vector<16xi32>,
        %add3A_151 = arith.addi %get3A_144, %get3A_146 : vector<16xi32>
        %add3A_152 = arith.addi %get3A_148, %get3A_150 : vector<16xi32>
        %add3A_153 = arith.addi %add3A_151, %add3A_152 : vector<16xi32>
        %broadcast_in_dim3A_154 = arith.constant true
        %broadcast_in_dim3A_155 = vector.broadcast %broadcast_in_dim3A_154 : i1 to vector<16xi1>
        %masked_cumsum3A_156 = tpu.scan <sum>, %add3A_153 masked %broadcast_in_dim3A_155 : vector<16xi32>, vector<16xi1> -> vector<16xi32>
        %sub3A_157 = arith.subi %masked_cumsum3A_156, %add3A_153 : vector<16xi32>
        %add3A_158 = vector.broadcast %add3A_124 : i32 to vector<16xi32>
        %add3A_159 = arith.addi %sub3A_157, %add3A_158 : vector<16xi32>
        %mul3A_160 = arith.constant 16 : i32
        %mul3A_161 = arith.muli %scan3A_126, %mul3A_160 : i32
        %swap3A_162 = arith.index_cast %mul3A_161 : i32 to index
        %swap3A_163 = tpu.vector_load %arg6[%swap3A_162] {strides = array<i32>} : memref<2048xi32, #tpu.memory_space<vmem>>, vector<16xi32>,
        tpu.vector_store %arg6[%swap3A_162], %add3A_159 {strides = array<i32>} : memref<2048xi32, #tpu.memory_space<vmem>>, vector<16xi32>,
        %swap3A_164 = arith.index_cast %add3A_130 : i32 to index
        %swap3A_165 = tpu.vector_load %arg10[%swap3A_164] {strides = array<i32>} : memref<8192xi32, #tpu.memory_space<vmem>>, vector<16xi32>,
        tpu.vector_store %arg10[%swap3A_164], %broadcast_in_dim3A_1 {strides = array<i32>} : memref<8192xi32, #tpu.memory_space<vmem>>, vector<16xi32>,
        %add3A_166 = arith.addi %add3A_159, %get3A_144 : vector<16xi32>
        %swap3A_167 = arith.index_cast %mul3A_161 : i32 to index
        %swap3A_168 = tpu.vector_load %arg7[%swap3A_167] {strides = array<i32>} : memref<2048xi32, #tpu.memory_space<vmem>>, vector<16xi32>,
        tpu.vector_store %arg7[%swap3A_167], %add3A_166 {strides = array<i32>} : memref<2048xi32, #tpu.memory_space<vmem>>, vector<16xi32>,
        %swap3A_169 = arith.index_cast %add3A_134 : i32 to index
        %swap3A_170 = tpu.vector_load %arg10[%swap3A_169] {strides = array<i32>} : memref<8192xi32, #tpu.memory_space<vmem>>, vector<16xi32>,
        tpu.vector_store %arg10[%swap3A_169], %broadcast_in_dim3A_1 {strides = array<i32>} : memref<8192xi32, #tpu.memory_space<vmem>>, vector<16xi32>,
        %add3A_171 = arith.addi %add3A_166, %get3A_146 : vector<16xi32>
        %swap3A_172 = arith.index_cast %mul3A_161 : i32 to index
        %swap3A_173 = tpu.vector_load %arg8[%swap3A_172] {strides = array<i32>} : memref<2048xi32, #tpu.memory_space<vmem>>, vector<16xi32>,
        tpu.vector_store %arg8[%swap3A_172], %add3A_171 {strides = array<i32>} : memref<2048xi32, #tpu.memory_space<vmem>>, vector<16xi32>,
        %swap3A_174 = arith.index_cast %add3A_138 : i32 to index
        %swap3A_175 = tpu.vector_load %arg10[%swap3A_174] {strides = array<i32>} : memref<8192xi32, #tpu.memory_space<vmem>>, vector<16xi32>,
        tpu.vector_store %arg10[%swap3A_174], %broadcast_in_dim3A_1 {strides = array<i32>} : memref<8192xi32, #tpu.memory_space<vmem>>, vector<16xi32>,
        %add3A_176 = arith.addi %add3A_171, %get3A_148 : vector<16xi32>
        %swap3A_177 = arith.index_cast %mul3A_161 : i32 to index
        %swap3A_178 = tpu.vector_load %arg9[%swap3A_177] {strides = array<i32>} : memref<2048xi32, #tpu.memory_space<vmem>>, vector<16xi32>,
        tpu.vector_store %arg9[%swap3A_177], %add3A_176 {strides = array<i32>} : memref<2048xi32, #tpu.memory_space<vmem>>, vector<16xi32>,
        %swap3A_179 = arith.index_cast %add3A_142 : i32 to index
        %swap3A_180 = tpu.vector_load %arg10[%swap3A_179] {strides = array<i32>} : memref<8192xi32, #tpu.memory_space<vmem>>, vector<16xi32>,
        tpu.vector_store %arg10[%swap3A_179], %broadcast_in_dim3A_1 {strides = array<i32>} : memref<8192xi32, #tpu.memory_space<vmem>>, vector<16xi32>,
        %slice3A_181 = vector.extract_strided_slice %masked_cumsum3A_156 {offsets = [15], sizes = [1], strides = [1]} : vector<16xi32> to vector<1xi32>
        %squeeze3A_182 = vector.extract %slice3A_181[0] : i32 from vector<1xi32>
        %add3A_183 = arith.addi %add3A_124, %squeeze3A_182 : i32
        scf.yield %add3A_183 : i32
      }
      %scan3A_35 = arith.constant 128 : i32
      %scan3A_36 = arith.constant 0 : i32
      %scan3A_37 = arith.constant 0 : i32
      %scan3A_38 = arith.constant 512 : i32
      %scan3A_39 = arith.addi %scan3A_37, %scan3A_38 : i32
      %scan3A_40 = arith.constant 1 : i32
      %scan3A_41 = scf.for %scan3A_72 = %scan3A_37 to %scan3A_39 step %scan3A_40 iter_args(%scan3A_73 = %scan3A_36) -> (i32)  : i32 {
        %add3A_74 = arith.constant 0 : i32
        %add3A_75 = arith.addi %add3A_74, %scan3A_72 : i32
        %mul3A_76 = arith.constant 16 : i32
        %mul3A_77 = arith.muli %add3A_75, %mul3A_76 : i32
        %get3A = arith.index_cast %mul3A_77 : i32 to index
        %get3A_78 = tpu.vector_load %arg4[%get3A] {strides = array<i32>} : memref<32768xf32, #tpu.memory_space<vmem>>, vector<16xf32>,
        %bitcast3A = vector.bitcast %get3A_78 : vector<16xf32> to vector<16xi32>
        %add3A_79 = arith.constant 512 : i32
        %add3A_80 = arith.addi %add3A_79, %scan3A_72 : i32
        %mul3A_81 = arith.constant 16 : i32
        %mul3A_82 = arith.muli %add3A_80, %mul3A_81 : i32
        %get3A_83 = arith.index_cast %mul3A_82 : i32 to index
        %get3A_84 = tpu.vector_load %arg4[%get3A_83] {strides = array<i32>} : memref<32768xf32, #tpu.memory_space<vmem>>, vector<16xf32>,
        %bitcast3A_85 = vector.bitcast %get3A_84 : vector<16xf32> to vector<16xi32>
        %add3A_86 = arith.constant 1024 : i32
        %add3A_87 = arith.addi %add3A_86, %scan3A_72 : i32
        %mul3A_88 = arith.constant 16 : i32
        %mul3A_89 = arith.muli %add3A_87, %mul3A_88 : i32
        %get3A_90 = arith.index_cast %mul3A_89 : i32 to index
        %get3A_91 = tpu.vector_load %arg4[%get3A_90] {strides = array<i32>} : memref<32768xf32, #tpu.memory_space<vmem>>, vector<16xf32>,
        %bitcast3A_92 = vector.bitcast %get3A_91 : vector<16xf32> to vector<16xi32>
        %add3A_93 = arith.constant 1536 : i32
        %add3A_94 = arith.addi %add3A_93, %scan3A_72 : i32
        %mul3A_95 = arith.constant 16 : i32
        %mul3A_96 = arith.muli %add3A_94, %mul3A_95 : i32
        %get3A_97 = arith.index_cast %mul3A_96 : i32 to index
        %get3A_98 = tpu.vector_load %arg4[%get3A_97] {strides = array<i32>} : memref<32768xf32, #tpu.memory_space<vmem>>, vector<16xf32>,
        %bitcast3A_99 = vector.bitcast %get3A_98 : vector<16xf32> to vector<16xi32>
        %and3A = arith.constant 2047 : i32
        %and3A_100 = vector.broadcast %and3A : i32 to vector<16xi32>
        %and3A_101 = arith.andi %bitcast3A, %and3A_100 : vector<16xi32>
        %and3A_102 = arith.constant 2047 : i32
        %and3A_103 = vector.broadcast %and3A_102 : i32 to vector<16xi32>
        %and3A_104 = arith.andi %bitcast3A_85, %and3A_103 : vector<16xi32>
        %and3A_105 = arith.constant 2047 : i32
        %and3A_106 = vector.broadcast %and3A_105 : i32 to vector<16xi32>
        %and3A_107 = arith.andi %bitcast3A_92, %and3A_106 : vector<16xi32>
        %and3A_108 = arith.constant 2047 : i32
        %and3A_109 = vector.broadcast %and3A_108 : i32 to vector<16xi32>
        %and3A_110 = arith.andi %bitcast3A_99, %and3A_109 : vector<16xi32>
        %broadcast_in_dim3A_111 = arith.constant true
        %broadcast_in_dim3A_112 = vector.broadcast %broadcast_in_dim3A_111 : i1 to vector<16xi1>
        %unique3A, %unique3A_113 = tpu.scan_count mask(%broadcast_in_dim3A_112 : vector<16xi1>) value(%and3A_101 : vector<16xi32>) : vector<16xi1>, vector<16xi32>
        %broadcast_in_dim3A_114 = arith.constant true
        %broadcast_in_dim3A_115 = vector.broadcast %broadcast_in_dim3A_114 : i1 to vector<16xi1>
        %unique3A_116, %unique3A_117 = tpu.scan_count mask(%broadcast_in_dim3A_115 : vector<16xi1>) value(%and3A_104 : vector<16xi32>) : vector<16xi1>, vector<16xi32>
        %broadcast_in_dim3A_118 = arith.constant true
        %broadcast_in_dim3A_119 = vector.broadcast %broadcast_in_dim3A_118 : i1 to vector<16xi1>
        %unique3A_120, %unique3A_121 = tpu.scan_count mask(%broadcast_in_dim3A_119 : vector<16xi1>) value(%and3A_107 : vector<16xi32>) : vector<16xi1>, vector<16xi32>
        %broadcast_in_dim3A_122 = arith.constant true
        %broadcast_in_dim3A_123 = vector.broadcast %broadcast_in_dim3A_122 : i1 to vector<16xi1>
        %unique3A_124, %unique3A_125 = tpu.scan_count mask(%broadcast_in_dim3A_123 : vector<16xi1>) value(%and3A_110 : vector<16xi32>) : vector<16xi1>, vector<16xi32>
        %gather3A = tpu.vector_load_idx %arg6[%and3A_101] : memref<2048xi32, #tpu.memory_space<vmem>>[vector<16xi32>], vector<16xi32>,
        %gather3A_126 = tpu.vector_load_idx %arg7[%and3A_104] : memref<2048xi32, #tpu.memory_space<vmem>>[vector<16xi32>], vector<16xi32>,
        %gather3A_127 = tpu.vector_load_idx %arg8[%and3A_107] : memref<2048xi32, #tpu.memory_space<vmem>>[vector<16xi32>], vector<16xi32>,
        %gather3A_128 = tpu.vector_load_idx %arg9[%and3A_110] : memref<2048xi32, #tpu.memory_space<vmem>>[vector<16xi32>], vector<16xi32>,
        %add3A_129 = arith.addi %gather3A, %unique3A_113 : vector<16xi32>
        %add3A_130 = arith.addi %gather3A_126, %unique3A_117 : vector<16xi32>
        %add3A_131 = arith.addi %gather3A_127, %unique3A_121 : vector<16xi32>
        %add3A_132 = arith.addi %gather3A_128, %unique3A_125 : vector<16xi32>
        %sub3A = arith.constant 1 : i32
        %sub3A_133 = vector.broadcast %sub3A : i32 to vector<16xi32>
        %sub3A_134 = arith.subi %add3A_129, %sub3A_133 : vector<16xi32>
        %sub3A_135 = arith.constant 1 : i32
        %sub3A_136 = vector.broadcast %sub3A_135 : i32 to vector<16xi32>
        %sub3A_137 = arith.subi %add3A_130, %sub3A_136 : vector<16xi32>
        %sub3A_138 = arith.constant 1 : i32
        %sub3A_139 = vector.broadcast %sub3A_138 : i32 to vector<16xi32>
        %sub3A_140 = arith.subi %add3A_131, %sub3A_139 : vector<16xi32>
        %sub3A_141 = arith.constant 1 : i32
        %sub3A_142 = vector.broadcast %sub3A_141 : i32 to vector<16xi32>
        %sub3A_143 = arith.subi %add3A_132, %sub3A_142 : vector<16xi32>
        %bitcast3A_144 = vector.bitcast %bitcast3A : vector<16xi32> to vector<16xf32>
        tpu.vector_store_idx %arg5[%sub3A_134], %bitcast3A_144 : memref<32768xf32, #tpu.memory_space<vmem>>[vector<16xi32>], vector<16xf32>,
        tpu.vector_store_idx %arg6[%and3A_101], %add3A_129 masked %unique3A : memref<2048xi32, #tpu.memory_space<vmem>>[vector<16xi32>], vector<16xi32>, vector<16xi1>
        %bitcast3A_145 = vector.bitcast %bitcast3A_85 : vector<16xi32> to vector<16xf32>
        tpu.vector_store_idx %arg5[%sub3A_137], %bitcast3A_145 : memref<32768xf32, #tpu.memory_space<vmem>>[vector<16xi32>], vector<16xf32>,
        tpu.vector_store_idx %arg7[%and3A_104], %add3A_130 masked %unique3A_116 : memref<2048xi32, #tpu.memory_space<vmem>>[vector<16xi32>], vector<16xi32>, vector<16xi1>
        %bitcast3A_146 = vector.bitcast %bitcast3A_92 : vector<16xi32> to vector<16xf32>
        tpu.vector_store_idx %arg5[%sub3A_140], %bitcast3A_146 : memref<32768xf32, #tpu.memory_space<vmem>>[vector<16xi32>], vector<16xf32>,
        tpu.vector_store_idx %arg8[%and3A_107], %add3A_131 masked %unique3A_120 : memref<2048xi32, #tpu.memory_space<vmem>>[vector<16xi32>], vector<16xi32>, vector<16xi1>
        %bitcast3A_147 = vector.bitcast %bitcast3A_99 : vector<16xi32> to vector<16xf32>
        tpu.vector_store_idx %arg5[%sub3A_143], %bitcast3A_147 : memref<32768xf32, #tpu.memory_space<vmem>>[vector<16xi32>], vector<16xf32>,
        tpu.vector_store_idx %arg9[%and3A_110], %add3A_132 masked %unique3A_124 : memref<2048xi32, #tpu.memory_space<vmem>>[vector<16xi32>], vector<16xi32>, vector<16xi1>
        %shift_right_arithmetic3A = arith.constant 11 : i32
        %shift_right_arithmetic3A_148 = vector.broadcast %shift_right_arithmetic3A : i32 to vector<16xi32>
        %shift_right_arithmetic3A_149 = arith.shrsi %bitcast3A, %shift_right_arithmetic3A_148 : vector<16xi32>
        %and3A_150 = arith.constant 2047 : i32
        %and3A_151 = vector.broadcast %and3A_150 : i32 to vector<16xi32>
        %and3A_152 = arith.andi %shift_right_arithmetic3A_149, %and3A_151 : vector<16xi32>
        %shift_right_arithmetic3A_153 = arith.constant 13 : i32
        %shift_right_arithmetic3A_154 = vector.broadcast %shift_right_arithmetic3A_153 : i32 to vector<16xi32>
        %shift_right_arithmetic3A_155 = arith.shrsi %sub3A_134, %shift_right_arithmetic3A_154 : vector<16xi32>
        %shift_left3A = arith.constant 11 : i32
        %shift_left3A_156 = vector.broadcast %shift_left3A : i32 to vector<16xi32>
        %shift_left3A_157 = arith.shli %shift_right_arithmetic3A_155, %shift_left3A_156 : vector<16xi32>
        %add3A_158 = arith.addi %shift_left3A_157, %and3A_152 : vector<16xi32>
        tpu.vector_store_idx %arg10[%add3A_158], %broadcast_in_dim3A_3 {add = true} : memref<8192xi32, #tpu.memory_space<vmem>>[vector<16xi32>], vector<16xi32>,
        %shift_right_arithmetic3A_159 = arith.constant 11 : i32
        %shift_right_arithmetic3A_160 = vector.broadcast %shift_right_arithmetic3A_159 : i32 to vector<16xi32>
        %shift_right_arithmetic3A_161 = arith.shrsi %bitcast3A_85, %shift_right_arithmetic3A_160 : vector<16xi32>
        %and3A_162 = arith.constant 2047 : i32
        %and3A_163 = vector.broadcast %and3A_162 : i32 to vector<16xi32>
        %and3A_164 = arith.andi %shift_right_arithmetic3A_161, %and3A_163 : vector<16xi32>
        %shift_right_arithmetic3A_165 = arith.constant 13 : i32
        %shift_right_arithmetic3A_166 = vector.broadcast %shift_right_arithmetic3A_165 : i32 to vector<16xi32>
        %shift_right_arithmetic3A_167 = arith.shrsi %sub3A_137, %shift_right_arithmetic3A_166 : vector<16xi32>
        %shift_left3A_168 = arith.constant 11 : i32
        %shift_left3A_169 = vector.broadcast %shift_left3A_168 : i32 to vector<16xi32>
        %shift_left3A_170 = arith.shli %shift_right_arithmetic3A_167, %shift_left3A_169 : vector<16xi32>
        %add3A_171 = arith.addi %shift_left3A_170, %and3A_164 : vector<16xi32>
        tpu.vector_store_idx %arg10[%add3A_171], %broadcast_in_dim3A_3 {add = true} : memref<8192xi32, #tpu.memory_space<vmem>>[vector<16xi32>], vector<16xi32>,
        %shift_right_arithmetic3A_172 = arith.constant 11 : i32
        %shift_right_arithmetic3A_173 = vector.broadcast %shift_right_arithmetic3A_172 : i32 to vector<16xi32>
        %shift_right_arithmetic3A_174 = arith.shrsi %bitcast3A_92, %shift_right_arithmetic3A_173 : vector<16xi32>
        %and3A_175 = arith.constant 2047 : i32
        %and3A_176 = vector.broadcast %and3A_175 : i32 to vector<16xi32>
        %and3A_177 = arith.andi %shift_right_arithmetic3A_174, %and3A_176 : vector<16xi32>
        %shift_right_arithmetic3A_178 = arith.constant 13 : i32
        %shift_right_arithmetic3A_179 = vector.broadcast %shift_right_arithmetic3A_178 : i32 to vector<16xi32>
        %shift_right_arithmetic3A_180 = arith.shrsi %sub3A_140, %shift_right_arithmetic3A_179 : vector<16xi32>
        %shift_left3A_181 = arith.constant 11 : i32
        %shift_left3A_182 = vector.broadcast %shift_left3A_181 : i32 to vector<16xi32>
        %shift_left3A_183 = arith.shli %shift_right_arithmetic3A_180, %shift_left3A_182 : vector<16xi32>
        %add3A_184 = arith.addi %shift_left3A_183, %and3A_177 : vector<16xi32>
        tpu.vector_store_idx %arg10[%add3A_184], %broadcast_in_dim3A_3 {add = true} : memref<8192xi32, #tpu.memory_space<vmem>>[vector<16xi32>], vector<16xi32>,
        %shift_right_arithmetic3A_185 = arith.constant 11 : i32
        %shift_right_arithmetic3A_186 = vector.broadcast %shift_right_arithmetic3A_185 : i32 to vector<16xi32>
        %shift_right_arithmetic3A_187 = arith.shrsi %bitcast3A_99, %shift_right_arithmetic3A_186 : vector<16xi32>
        %and3A_188 = arith.constant 2047 : i32
        %and3A_189 = vector.broadcast %and3A_188 : i32 to vector<16xi32>
        %and3A_190 = arith.andi %shift_right_arithmetic3A_187, %and3A_189 : vector<16xi32>
        %shift_right_arithmetic3A_191 = arith.constant 13 : i32
        %shift_right_arithmetic3A_192 = vector.broadcast %shift_right_arithmetic3A_191 : i32 to vector<16xi32>
        %shift_right_arithmetic3A_193 = arith.shrsi %sub3A_143, %shift_right_arithmetic3A_192 : vector<16xi32>
        %shift_left3A_194 = arith.constant 11 : i32
        %shift_left3A_195 = vector.broadcast %shift_left3A_194 : i32 to vector<16xi32>
        %shift_left3A_196 = arith.shli %shift_right_arithmetic3A_193, %shift_left3A_195 : vector<16xi32>
        %add3A_197 = arith.addi %shift_left3A_196, %and3A_190 : vector<16xi32>
        tpu.vector_store_idx %arg10[%add3A_197], %broadcast_in_dim3A_3 {add = true} : memref<8192xi32, #tpu.memory_space<vmem>>[vector<16xi32>], vector<16xi32>,
        %scan3A_198 = arith.constant 0 : i32
        scf.yield %scan3A_198 : i32
      }
      %scan3A_42 = arith.constant 512 : i32
      %scan3A_43 = arith.constant 0 : i32
      %scan3A_44 = arith.constant 0 : i32
      %scan3A_45 = arith.constant 128 : i32
      %scan3A_46 = arith.addi %scan3A_44, %scan3A_45 : i32
      %scan3A_47 = arith.constant 2 : i32
      %scan3A_48 = scf.for %scan3A_72 = %scan3A_44 to %scan3A_46 step %scan3A_47 iter_args(%scan3A_73 = %scan3A_43) -> (i32)  : i32 {
        %mul3A_74 = arith.constant 16 : i32
        %mul3A_75 = arith.muli %scan3A_72, %mul3A_74 : i32
        %add3A_76 = arith.constant 0 : i32
        %add3A_77 = arith.addi %add3A_76, %mul3A_75 : i32
        %mul3A_78 = arith.constant 16 : i32
        %mul3A_79 = arith.muli %scan3A_72, %mul3A_78 : i32
        %add3A_80 = arith.constant 2048 : i32
        %add3A_81 = arith.addi %add3A_80, %mul3A_79 : i32
        %mul3A_82 = arith.constant 16 : i32
        %mul3A_83 = arith.muli %scan3A_72, %mul3A_82 : i32
        %add3A_84 = arith.constant 4096 : i32
        %add3A_85 = arith.addi %add3A_84, %mul3A_83 : i32
        %mul3A_86 = arith.constant 16 : i32
        %mul3A_87 = arith.muli %scan3A_72, %mul3A_86 : i32
        %add3A_88 = arith.constant 6144 : i32
        %add3A_89 = arith.addi %add3A_88, %mul3A_87 : i32
        %get3A = arith.index_cast %add3A_77 : i32 to index
        %get3A_90 = tpu.vector_load %arg10[%get3A] {strides = array<i32>} : memref<8192xi32, #tpu.memory_space<vmem>>, vector<16xi32>,
        %get3A_91 = arith.index_cast %add3A_81 : i32 to index
        %get3A_92 = tpu.vector_load %arg10[%get3A_91] {strides = array<i32>} : memref<8192xi32, #tpu.memory_space<vmem>>, vector<16xi32>,
        %get3A_93 = arith.index_cast %add3A_85 : i32 to index
        %get3A_94 = tpu.vector_load %arg10[%get3A_93] {strides = array<i32>} : memref<8192xi32, #tpu.memory_space<vmem>>, vector<16xi32>,
        %get3A_95 = arith.index_cast %add3A_89 : i32 to index
        %get3A_96 = tpu.vector_load %arg10[%get3A_95] {strides = array<i32>} : memref<8192xi32, #tpu.memory_space<vmem>>, vector<16xi32>,
        %add3A_97 = arith.addi %get3A_90, %get3A_92 : vector<16xi32>
        %add3A_98 = arith.addi %get3A_94, %get3A_96 : vector<16xi32>
        %add3A_99 = arith.addi %add3A_97, %add3A_98 : vector<16xi32>
        %broadcast_in_dim3A_100 = arith.constant true
        %broadcast_in_dim3A_101 = vector.broadcast %broadcast_in_dim3A_100 : i1 to vector<16xi1>
        %masked_cumsum3A = tpu.scan <sum>, %add3A_99 masked %broadcast_in_dim3A_101 : vector<16xi32>, vector<16xi1> -> vector<16xi32>
        %sub3A = arith.subi %masked_cumsum3A, %add3A_99 : vector<16xi32>
        %add3A_102 = vector.broadcast %scan3A_73 : i32 to vector<16xi32>
        %add3A_103 = arith.addi %sub3A, %add3A_102 : vector<16xi32>
        %mul3A_104 = arith.constant 16 : i32
        %mul3A_105 = arith.muli %scan3A_72, %mul3A_104 : i32
        %swap3A = arith.index_cast %mul3A_105 : i32 to index
        %swap3A_106 = tpu.vector_load %arg6[%swap3A] {strides = array<i32>} : memref<2048xi32, #tpu.memory_space<vmem>>, vector<16xi32>,
        tpu.vector_store %arg6[%swap3A], %add3A_103 {strides = array<i32>} : memref<2048xi32, #tpu.memory_space<vmem>>, vector<16xi32>,
        %swap3A_107 = arith.index_cast %add3A_77 : i32 to index
        %swap3A_108 = tpu.vector_load %arg10[%swap3A_107] {strides = array<i32>} : memref<8192xi32, #tpu.memory_space<vmem>>, vector<16xi32>,
        tpu.vector_store %arg10[%swap3A_107], %broadcast_in_dim3A_1 {strides = array<i32>} : memref<8192xi32, #tpu.memory_space<vmem>>, vector<16xi32>,
        %add3A_109 = arith.addi %add3A_103, %get3A_90 : vector<16xi32>
        %swap3A_110 = arith.index_cast %mul3A_105 : i32 to index
        %swap3A_111 = tpu.vector_load %arg7[%swap3A_110] {strides = array<i32>} : memref<2048xi32, #tpu.memory_space<vmem>>, vector<16xi32>,
        tpu.vector_store %arg7[%swap3A_110], %add3A_109 {strides = array<i32>} : memref<2048xi32, #tpu.memory_space<vmem>>, vector<16xi32>,
        %swap3A_112 = arith.index_cast %add3A_81 : i32 to index
        %swap3A_113 = tpu.vector_load %arg10[%swap3A_112] {strides = array<i32>} : memref<8192xi32, #tpu.memory_space<vmem>>, vector<16xi32>,
        tpu.vector_store %arg10[%swap3A_112], %broadcast_in_dim3A_1 {strides = array<i32>} : memref<8192xi32, #tpu.memory_space<vmem>>, vector<16xi32>,
        %add3A_114 = arith.addi %add3A_109, %get3A_92 : vector<16xi32>
        %swap3A_115 = arith.index_cast %mul3A_105 : i32 to index
        %swap3A_116 = tpu.vector_load %arg8[%swap3A_115] {strides = array<i32>} : memref<2048xi32, #tpu.memory_space<vmem>>, vector<16xi32>,
        tpu.vector_store %arg8[%swap3A_115], %add3A_114 {strides = array<i32>} : memref<2048xi32, #tpu.memory_space<vmem>>, vector<16xi32>,
        %swap3A_117 = arith.index_cast %add3A_85 : i32 to index
        %swap3A_118 = tpu.vector_load %arg10[%swap3A_117] {strides = array<i32>} : memref<8192xi32, #tpu.memory_space<vmem>>, vector<16xi32>,
        tpu.vector_store %arg10[%swap3A_117], %broadcast_in_dim3A_1 {strides = array<i32>} : memref<8192xi32, #tpu.memory_space<vmem>>, vector<16xi32>,
        %add3A_119 = arith.addi %add3A_114, %get3A_94 : vector<16xi32>
        %swap3A_120 = arith.index_cast %mul3A_105 : i32 to index
        %swap3A_121 = tpu.vector_load %arg9[%swap3A_120] {strides = array<i32>} : memref<2048xi32, #tpu.memory_space<vmem>>, vector<16xi32>,
        tpu.vector_store %arg9[%swap3A_120], %add3A_119 {strides = array<i32>} : memref<2048xi32, #tpu.memory_space<vmem>>, vector<16xi32>,
        %swap3A_122 = arith.index_cast %add3A_89 : i32 to index
        %swap3A_123 = tpu.vector_load %arg10[%swap3A_122] {strides = array<i32>} : memref<8192xi32, #tpu.memory_space<vmem>>, vector<16xi32>,
        tpu.vector_store %arg10[%swap3A_122], %broadcast_in_dim3A_1 {strides = array<i32>} : memref<8192xi32, #tpu.memory_space<vmem>>, vector<16xi32>,
        %slice3A = vector.extract_strided_slice %masked_cumsum3A {offsets = [15], sizes = [1], strides = [1]} : vector<16xi32> to vector<1xi32>
        %squeeze3A = vector.extract %slice3A[0] : i32 from vector<1xi32>
        %add3A_124 = arith.addi %scan3A_73, %squeeze3A : i32
        %scan3A_125 = arith.constant 1 : i32
        %scan3A_126 = arith.addi %scan3A_72, %scan3A_125 : i32
        %mul3A_127 = arith.constant 16 : i32
        %mul3A_128 = arith.muli %scan3A_126, %mul3A_127 : i32
        %add3A_129 = arith.constant 0 : i32
        %add3A_130 = arith.addi %add3A_129, %mul3A_128 : i32
        %mul3A_131 = arith.constant 16 : i32
        %mul3A_132 = arith.muli %scan3A_126, %mul3A_131 : i32
        %add3A_133 = arith.constant 2048 : i32
        %add3A_134 = arith.addi %add3A_133, %mul3A_132 : i32
        %mul3A_135 = arith.constant 16 : i32
        %mul3A_136 = arith.muli %scan3A_126, %mul3A_135 : i32
        %add3A_137 = arith.constant 4096 : i32
        %add3A_138 = arith.addi %add3A_137, %mul3A_136 : i32
        %mul3A_139 = arith.constant 16 : i32
        %mul3A_140 = arith.muli %scan3A_126, %mul3A_139 : i32
        %add3A_141 = arith.constant 6144 : i32
        %add3A_142 = arith.addi %add3A_141, %mul3A_140 : i32
        %get3A_143 = arith.index_cast %add3A_130 : i32 to index
        %get3A_144 = tpu.vector_load %arg10[%get3A_143] {strides = array<i32>} : memref<8192xi32, #tpu.memory_space<vmem>>, vector<16xi32>,
        %get3A_145 = arith.index_cast %add3A_134 : i32 to index
        %get3A_146 = tpu.vector_load %arg10[%get3A_145] {strides = array<i32>} : memref<8192xi32, #tpu.memory_space<vmem>>, vector<16xi32>,
        %get3A_147 = arith.index_cast %add3A_138 : i32 to index
        %get3A_148 = tpu.vector_load %arg10[%get3A_147] {strides = array<i32>} : memref<8192xi32, #tpu.memory_space<vmem>>, vector<16xi32>,
        %get3A_149 = arith.index_cast %add3A_142 : i32 to index
        %get3A_150 = tpu.vector_load %arg10[%get3A_149] {strides = array<i32>} : memref<8192xi32, #tpu.memory_space<vmem>>, vector<16xi32>,
        %add3A_151 = arith.addi %get3A_144, %get3A_146 : vector<16xi32>
        %add3A_152 = arith.addi %get3A_148, %get3A_150 : vector<16xi32>
        %add3A_153 = arith.addi %add3A_151, %add3A_152 : vector<16xi32>
        %broadcast_in_dim3A_154 = arith.constant true
        %broadcast_in_dim3A_155 = vector.broadcast %broadcast_in_dim3A_154 : i1 to vector<16xi1>
        %masked_cumsum3A_156 = tpu.scan <sum>, %add3A_153 masked %broadcast_in_dim3A_155 : vector<16xi32>, vector<16xi1> -> vector<16xi32>
        %sub3A_157 = arith.subi %masked_cumsum3A_156, %add3A_153 : vector<16xi32>
        %add3A_158 = vector.broadcast %add3A_124 : i32 to vector<16xi32>
        %add3A_159 = arith.addi %sub3A_157, %add3A_158 : vector<16xi32>
        %mul3A_160 = arith.constant 16 : i32
        %mul3A_161 = arith.muli %scan3A_126, %mul3A_160 : i32
        %swap3A_162 = arith.index_cast %mul3A_161 : i32 to index
        %swap3A_163 = tpu.vector_load %arg6[%swap3A_162] {strides = array<i32>} : memref<2048xi32, #tpu.memory_space<vmem>>, vector<16xi32>,
        tpu.vector_store %arg6[%swap3A_162], %add3A_159 {strides = array<i32>} : memref<2048xi32, #tpu.memory_space<vmem>>, vector<16xi32>,
        %swap3A_164 = arith.index_cast %add3A_130 : i32 to index
        %swap3A_165 = tpu.vector_load %arg10[%swap3A_164] {strides = array<i32>} : memref<8192xi32, #tpu.memory_space<vmem>>, vector<16xi32>,
        tpu.vector_store %arg10[%swap3A_164], %broadcast_in_dim3A_1 {strides = array<i32>} : memref<8192xi32, #tpu.memory_space<vmem>>, vector<16xi32>,
        %add3A_166 = arith.addi %add3A_159, %get3A_144 : vector<16xi32>
        %swap3A_167 = arith.index_cast %mul3A_161 : i32 to index
        %swap3A_168 = tpu.vector_load %arg7[%swap3A_167] {strides = array<i32>} : memref<2048xi32, #tpu.memory_space<vmem>>, vector<16xi32>,
        tpu.vector_store %arg7[%swap3A_167], %add3A_166 {strides = array<i32>} : memref<2048xi32, #tpu.memory_space<vmem>>, vector<16xi32>,
        %swap3A_169 = arith.index_cast %add3A_134 : i32 to index
        %swap3A_170 = tpu.vector_load %arg10[%swap3A_169] {strides = array<i32>} : memref<8192xi32, #tpu.memory_space<vmem>>, vector<16xi32>,
        tpu.vector_store %arg10[%swap3A_169], %broadcast_in_dim3A_1 {strides = array<i32>} : memref<8192xi32, #tpu.memory_space<vmem>>, vector<16xi32>,
        %add3A_171 = arith.addi %add3A_166, %get3A_146 : vector<16xi32>
        %swap3A_172 = arith.index_cast %mul3A_161 : i32 to index
        %swap3A_173 = tpu.vector_load %arg8[%swap3A_172] {strides = array<i32>} : memref<2048xi32, #tpu.memory_space<vmem>>, vector<16xi32>,
        tpu.vector_store %arg8[%swap3A_172], %add3A_171 {strides = array<i32>} : memref<2048xi32, #tpu.memory_space<vmem>>, vector<16xi32>,
        %swap3A_174 = arith.index_cast %add3A_138 : i32 to index
        %swap3A_175 = tpu.vector_load %arg10[%swap3A_174] {strides = array<i32>} : memref<8192xi32, #tpu.memory_space<vmem>>, vector<16xi32>,
        tpu.vector_store %arg10[%swap3A_174], %broadcast_in_dim3A_1 {strides = array<i32>} : memref<8192xi32, #tpu.memory_space<vmem>>, vector<16xi32>,
        %add3A_176 = arith.addi %add3A_171, %get3A_148 : vector<16xi32>
        %swap3A_177 = arith.index_cast %mul3A_161 : i32 to index
        %swap3A_178 = tpu.vector_load %arg9[%swap3A_177] {strides = array<i32>} : memref<2048xi32, #tpu.memory_space<vmem>>, vector<16xi32>,
        tpu.vector_store %arg9[%swap3A_177], %add3A_176 {strides = array<i32>} : memref<2048xi32, #tpu.memory_space<vmem>>, vector<16xi32>,
        %swap3A_179 = arith.index_cast %add3A_142 : i32 to index
        %swap3A_180 = tpu.vector_load %arg10[%swap3A_179] {strides = array<i32>} : memref<8192xi32, #tpu.memory_space<vmem>>, vector<16xi32>,
        tpu.vector_store %arg10[%swap3A_179], %broadcast_in_dim3A_1 {strides = array<i32>} : memref<8192xi32, #tpu.memory_space<vmem>>, vector<16xi32>,
        %slice3A_181 = vector.extract_strided_slice %masked_cumsum3A_156 {offsets = [15], sizes = [1], strides = [1]} : vector<16xi32> to vector<1xi32>
        %squeeze3A_182 = vector.extract %slice3A_181[0] : i32 from vector<1xi32>
        %add3A_183 = arith.addi %add3A_124, %squeeze3A_182 : i32
        scf.yield %add3A_183 : i32
      }
      %scan3A_49 = arith.constant 128 : i32
      %scan3A_50 = arith.constant 0 : i32
      %scan3A_51 = arith.constant 0 : i32
      %scan3A_52 = arith.constant 512 : i32
      %scan3A_53 = arith.addi %scan3A_51, %scan3A_52 : i32
      %scan3A_54 = arith.constant 1 : i32
      %scan3A_55 = scf.for %scan3A_72 = %scan3A_51 to %scan3A_53 step %scan3A_54 iter_args(%scan3A_73 = %scan3A_50) -> (i32)  : i32 {
        %add3A_74 = arith.constant 0 : i32
        %add3A_75 = arith.addi %add3A_74, %scan3A_72 : i32
        %mul3A_76 = arith.constant 16 : i32
        %mul3A_77 = arith.muli %add3A_75, %mul3A_76 : i32
        %get3A = arith.index_cast %mul3A_77 : i32 to index
        %get3A_78 = tpu.vector_load %arg5[%get3A] {strides = array<i32>} : memref<32768xf32, #tpu.memory_space<vmem>>, vector<16xf32>,
        %bitcast3A = vector.bitcast %get3A_78 : vector<16xf32> to vector<16xi32>
        %add3A_79 = arith.constant 512 : i32
        %add3A_80 = arith.addi %add3A_79, %scan3A_72 : i32
        %mul3A_81 = arith.constant 16 : i32
        %mul3A_82 = arith.muli %add3A_80, %mul3A_81 : i32
        %get3A_83 = arith.index_cast %mul3A_82 : i32 to index
        %get3A_84 = tpu.vector_load %arg5[%get3A_83] {strides = array<i32>} : memref<32768xf32, #tpu.memory_space<vmem>>, vector<16xf32>,
        %bitcast3A_85 = vector.bitcast %get3A_84 : vector<16xf32> to vector<16xi32>
        %add3A_86 = arith.constant 1024 : i32
        %add3A_87 = arith.addi %add3A_86, %scan3A_72 : i32
        %mul3A_88 = arith.constant 16 : i32
        %mul3A_89 = arith.muli %add3A_87, %mul3A_88 : i32
        %get3A_90 = arith.index_cast %mul3A_89 : i32 to index
        %get3A_91 = tpu.vector_load %arg5[%get3A_90] {strides = array<i32>} : memref<32768xf32, #tpu.memory_space<vmem>>, vector<16xf32>,
        %bitcast3A_92 = vector.bitcast %get3A_91 : vector<16xf32> to vector<16xi32>
        %add3A_93 = arith.constant 1536 : i32
        %add3A_94 = arith.addi %add3A_93, %scan3A_72 : i32
        %mul3A_95 = arith.constant 16 : i32
        %mul3A_96 = arith.muli %add3A_94, %mul3A_95 : i32
        %get3A_97 = arith.index_cast %mul3A_96 : i32 to index
        %get3A_98 = tpu.vector_load %arg5[%get3A_97] {strides = array<i32>} : memref<32768xf32, #tpu.memory_space<vmem>>, vector<16xf32>,
        %bitcast3A_99 = vector.bitcast %get3A_98 : vector<16xf32> to vector<16xi32>
        %shift_right_arithmetic3A = arith.constant 11 : i32
        %shift_right_arithmetic3A_100 = vector.broadcast %shift_right_arithmetic3A : i32 to vector<16xi32>
        %shift_right_arithmetic3A_101 = arith.shrsi %bitcast3A, %shift_right_arithmetic3A_100 : vector<16xi32>
        %and3A = arith.constant 2047 : i32
        %and3A_102 = vector.broadcast %and3A : i32 to vector<16xi32>
        %and3A_103 = arith.andi %shift_right_arithmetic3A_101, %and3A_102 : vector<16xi32>
        %shift_right_arithmetic3A_104 = arith.constant 11 : i32
        %shift_right_arithmetic3A_105 = vector.broadcast %shift_right_arithmetic3A_104 : i32 to vector<16xi32>
        %shift_right_arithmetic3A_106 = arith.shrsi %bitcast3A_85, %shift_right_arithmetic3A_105 : vector<16xi32>
        %and3A_107 = arith.constant 2047 : i32
        %and3A_108 = vector.broadcast %and3A_107 : i32 to vector<16xi32>
        %and3A_109 = arith.andi %shift_right_arithmetic3A_106, %and3A_108 : vector<16xi32>
        %shift_right_arithmetic3A_110 = arith.constant 11 : i32
        %shift_right_arithmetic3A_111 = vector.broadcast %shift_right_arithmetic3A_110 : i32 to vector<16xi32>
        %shift_right_arithmetic3A_112 = arith.shrsi %bitcast3A_92, %shift_right_arithmetic3A_111 : vector<16xi32>
        %and3A_113 = arith.constant 2047 : i32
        %and3A_114 = vector.broadcast %and3A_113 : i32 to vector<16xi32>
        %and3A_115 = arith.andi %shift_right_arithmetic3A_112, %and3A_114 : vector<16xi32>
        %shift_right_arithmetic3A_116 = arith.constant 11 : i32
        %shift_right_arithmetic3A_117 = vector.broadcast %shift_right_arithmetic3A_116 : i32 to vector<16xi32>
        %shift_right_arithmetic3A_118 = arith.shrsi %bitcast3A_99, %shift_right_arithmetic3A_117 : vector<16xi32>
        %and3A_119 = arith.constant 2047 : i32
        %and3A_120 = vector.broadcast %and3A_119 : i32 to vector<16xi32>
        %and3A_121 = arith.andi %shift_right_arithmetic3A_118, %and3A_120 : vector<16xi32>
        %broadcast_in_dim3A_122 = arith.constant true
        %broadcast_in_dim3A_123 = vector.broadcast %broadcast_in_dim3A_122 : i1 to vector<16xi1>
        %unique3A, %unique3A_124 = tpu.scan_count mask(%broadcast_in_dim3A_123 : vector<16xi1>) value(%and3A_103 : vector<16xi32>) : vector<16xi1>, vector<16xi32>
        %broadcast_in_dim3A_125 = arith.constant true
        %broadcast_in_dim3A_126 = vector.broadcast %broadcast_in_dim3A_125 : i1 to vector<16xi1>
        %unique3A_127, %unique3A_128 = tpu.scan_count mask(%broadcast_in_dim3A_126 : vector<16xi1>) value(%and3A_109 : vector<16xi32>) : vector<16xi1>, vector<16xi32>
        %broadcast_in_dim3A_129 = arith.constant true
        %broadcast_in_dim3A_130 = vector.broadcast %broadcast_in_dim3A_129 : i1 to vector<16xi1>
        %unique3A_131, %unique3A_132 = tpu.scan_count mask(%broadcast_in_dim3A_130 : vector<16xi1>) value(%and3A_115 : vector<16xi32>) : vector<16xi1>, vector<16xi32>
        %broadcast_in_dim3A_133 = arith.constant true
        %broadcast_in_dim3A_134 = vector.broadcast %broadcast_in_dim3A_133 : i1 to vector<16xi1>
        %unique3A_135, %unique3A_136 = tpu.scan_count mask(%broadcast_in_dim3A_134 : vector<16xi1>) value(%and3A_121 : vector<16xi32>) : vector<16xi1>, vector<16xi32>
        %gather3A = tpu.vector_load_idx %arg6[%and3A_103] : memref<2048xi32, #tpu.memory_space<vmem>>[vector<16xi32>], vector<16xi32>,
        %gather3A_137 = tpu.vector_load_idx %arg7[%and3A_109] : memref<2048xi32, #tpu.memory_space<vmem>>[vector<16xi32>], vector<16xi32>,
        %gather3A_138 = tpu.vector_load_idx %arg8[%and3A_115] : memref<2048xi32, #tpu.memory_space<vmem>>[vector<16xi32>], vector<16xi32>,
        %gather3A_139 = tpu.vector_load_idx %arg9[%and3A_121] : memref<2048xi32, #tpu.memory_space<vmem>>[vector<16xi32>], vector<16xi32>,
        %add3A_140 = arith.addi %gather3A, %unique3A_124 : vector<16xi32>
        %add3A_141 = arith.addi %gather3A_137, %unique3A_128 : vector<16xi32>
        %add3A_142 = arith.addi %gather3A_138, %unique3A_132 : vector<16xi32>
        %add3A_143 = arith.addi %gather3A_139, %unique3A_136 : vector<16xi32>
        %sub3A = arith.constant 1 : i32
        %sub3A_144 = vector.broadcast %sub3A : i32 to vector<16xi32>
        %sub3A_145 = arith.subi %add3A_140, %sub3A_144 : vector<16xi32>
        %sub3A_146 = arith.constant 1 : i32
        %sub3A_147 = vector.broadcast %sub3A_146 : i32 to vector<16xi32>
        %sub3A_148 = arith.subi %add3A_141, %sub3A_147 : vector<16xi32>
        %sub3A_149 = arith.constant 1 : i32
        %sub3A_150 = vector.broadcast %sub3A_149 : i32 to vector<16xi32>
        %sub3A_151 = arith.subi %add3A_142, %sub3A_150 : vector<16xi32>
        %sub3A_152 = arith.constant 1 : i32
        %sub3A_153 = vector.broadcast %sub3A_152 : i32 to vector<16xi32>
        %sub3A_154 = arith.subi %add3A_143, %sub3A_153 : vector<16xi32>
        %bitcast3A_155 = vector.bitcast %bitcast3A : vector<16xi32> to vector<16xf32>
        tpu.vector_store_idx %arg4[%sub3A_145], %bitcast3A_155 : memref<32768xf32, #tpu.memory_space<vmem>>[vector<16xi32>], vector<16xf32>,
        tpu.vector_store_idx %arg6[%and3A_103], %add3A_140 masked %unique3A : memref<2048xi32, #tpu.memory_space<vmem>>[vector<16xi32>], vector<16xi32>, vector<16xi1>
        %bitcast3A_156 = vector.bitcast %bitcast3A_85 : vector<16xi32> to vector<16xf32>
        tpu.vector_store_idx %arg4[%sub3A_148], %bitcast3A_156 : memref<32768xf32, #tpu.memory_space<vmem>>[vector<16xi32>], vector<16xf32>,
        tpu.vector_store_idx %arg7[%and3A_109], %add3A_141 masked %unique3A_127 : memref<2048xi32, #tpu.memory_space<vmem>>[vector<16xi32>], vector<16xi32>, vector<16xi1>
        %bitcast3A_157 = vector.bitcast %bitcast3A_92 : vector<16xi32> to vector<16xf32>
        tpu.vector_store_idx %arg4[%sub3A_151], %bitcast3A_157 : memref<32768xf32, #tpu.memory_space<vmem>>[vector<16xi32>], vector<16xf32>,
        tpu.vector_store_idx %arg8[%and3A_115], %add3A_142 masked %unique3A_131 : memref<2048xi32, #tpu.memory_space<vmem>>[vector<16xi32>], vector<16xi32>, vector<16xi1>
        %bitcast3A_158 = vector.bitcast %bitcast3A_99 : vector<16xi32> to vector<16xf32>
        tpu.vector_store_idx %arg4[%sub3A_154], %bitcast3A_158 : memref<32768xf32, #tpu.memory_space<vmem>>[vector<16xi32>], vector<16xf32>,
        tpu.vector_store_idx %arg9[%and3A_121], %add3A_143 masked %unique3A_135 : memref<2048xi32, #tpu.memory_space<vmem>>[vector<16xi32>], vector<16xi32>, vector<16xi1>
        %shift_right_arithmetic3A_159 = arith.constant 22 : i32
        %shift_right_arithmetic3A_160 = vector.broadcast %shift_right_arithmetic3A_159 : i32 to vector<16xi32>
        %shift_right_arithmetic3A_161 = arith.shrsi %bitcast3A, %shift_right_arithmetic3A_160 : vector<16xi32>
        %and3A_162 = arith.constant 1023 : i32
        %and3A_163 = vector.broadcast %and3A_162 : i32 to vector<16xi32>
        %and3A_164 = arith.andi %shift_right_arithmetic3A_161, %and3A_163 : vector<16xi32>
        %shift_right_arithmetic3A_165 = arith.constant 13 : i32
        %shift_right_arithmetic3A_166 = vector.broadcast %shift_right_arithmetic3A_165 : i32 to vector<16xi32>
        %shift_right_arithmetic3A_167 = arith.shrsi %sub3A_145, %shift_right_arithmetic3A_166 : vector<16xi32>
        %shift_left3A = arith.constant 10 : i32
        %shift_left3A_168 = vector.broadcast %shift_left3A : i32 to vector<16xi32>
        %shift_left3A_169 = arith.shli %shift_right_arithmetic3A_167, %shift_left3A_168 : vector<16xi32>
        %add3A_170 = arith.addi %shift_left3A_169, %and3A_164 : vector<16xi32>
        tpu.vector_store_idx %arg10[%add3A_170], %broadcast_in_dim3A_3 {add = true} : memref<8192xi32, #tpu.memory_space<vmem>>[vector<16xi32>], vector<16xi32>,
        %shift_right_arithmetic3A_171 = arith.constant 22 : i32
        %shift_right_arithmetic3A_172 = vector.broadcast %shift_right_arithmetic3A_171 : i32 to vector<16xi32>
        %shift_right_arithmetic3A_173 = arith.shrsi %bitcast3A_85, %shift_right_arithmetic3A_172 : vector<16xi32>
        %and3A_174 = arith.constant 1023 : i32
        %and3A_175 = vector.broadcast %and3A_174 : i32 to vector<16xi32>
        %and3A_176 = arith.andi %shift_right_arithmetic3A_173, %and3A_175 : vector<16xi32>
        %shift_right_arithmetic3A_177 = arith.constant 13 : i32
        %shift_right_arithmetic3A_178 = vector.broadcast %shift_right_arithmetic3A_177 : i32 to vector<16xi32>
        %shift_right_arithmetic3A_179 = arith.shrsi %sub3A_148, %shift_right_arithmetic3A_178 : vector<16xi32>
        %shift_left3A_180 = arith.constant 10 : i32
        %shift_left3A_181 = vector.broadcast %shift_left3A_180 : i32 to vector<16xi32>
        %shift_left3A_182 = arith.shli %shift_right_arithmetic3A_179, %shift_left3A_181 : vector<16xi32>
        %add3A_183 = arith.addi %shift_left3A_182, %and3A_176 : vector<16xi32>
        tpu.vector_store_idx %arg10[%add3A_183], %broadcast_in_dim3A_3 {add = true} : memref<8192xi32, #tpu.memory_space<vmem>>[vector<16xi32>], vector<16xi32>,
        %shift_right_arithmetic3A_184 = arith.constant 22 : i32
        %shift_right_arithmetic3A_185 = vector.broadcast %shift_right_arithmetic3A_184 : i32 to vector<16xi32>
        %shift_right_arithmetic3A_186 = arith.shrsi %bitcast3A_92, %shift_right_arithmetic3A_185 : vector<16xi32>
        %and3A_187 = arith.constant 1023 : i32
        %and3A_188 = vector.broadcast %and3A_187 : i32 to vector<16xi32>
        %and3A_189 = arith.andi %shift_right_arithmetic3A_186, %and3A_188 : vector<16xi32>
        %shift_right_arithmetic3A_190 = arith.constant 13 : i32
        %shift_right_arithmetic3A_191 = vector.broadcast %shift_right_arithmetic3A_190 : i32 to vector<16xi32>
        %shift_right_arithmetic3A_192 = arith.shrsi %sub3A_151, %shift_right_arithmetic3A_191 : vector<16xi32>
        %shift_left3A_193 = arith.constant 10 : i32
        %shift_left3A_194 = vector.broadcast %shift_left3A_193 : i32 to vector<16xi32>
        %shift_left3A_195 = arith.shli %shift_right_arithmetic3A_192, %shift_left3A_194 : vector<16xi32>
        %add3A_196 = arith.addi %shift_left3A_195, %and3A_189 : vector<16xi32>
        tpu.vector_store_idx %arg10[%add3A_196], %broadcast_in_dim3A_3 {add = true} : memref<8192xi32, #tpu.memory_space<vmem>>[vector<16xi32>], vector<16xi32>,
        %shift_right_arithmetic3A_197 = arith.constant 22 : i32
        %shift_right_arithmetic3A_198 = vector.broadcast %shift_right_arithmetic3A_197 : i32 to vector<16xi32>
        %shift_right_arithmetic3A_199 = arith.shrsi %bitcast3A_99, %shift_right_arithmetic3A_198 : vector<16xi32>
        %and3A_200 = arith.constant 1023 : i32
        %and3A_201 = vector.broadcast %and3A_200 : i32 to vector<16xi32>
        %and3A_202 = arith.andi %shift_right_arithmetic3A_199, %and3A_201 : vector<16xi32>
        %shift_right_arithmetic3A_203 = arith.constant 13 : i32
        %shift_right_arithmetic3A_204 = vector.broadcast %shift_right_arithmetic3A_203 : i32 to vector<16xi32>
        %shift_right_arithmetic3A_205 = arith.shrsi %sub3A_154, %shift_right_arithmetic3A_204 : vector<16xi32>
        %shift_left3A_206 = arith.constant 10 : i32
        %shift_left3A_207 = vector.broadcast %shift_left3A_206 : i32 to vector<16xi32>
        %shift_left3A_208 = arith.shli %shift_right_arithmetic3A_205, %shift_left3A_207 : vector<16xi32>
        %add3A_209 = arith.addi %shift_left3A_208, %and3A_202 : vector<16xi32>
        tpu.vector_store_idx %arg10[%add3A_209], %broadcast_in_dim3A_3 {add = true} : memref<8192xi32, #tpu.memory_space<vmem>>[vector<16xi32>], vector<16xi32>,
        %scan3A_210 = arith.constant 0 : i32
        scf.yield %scan3A_210 : i32
      }
      %scan3A_56 = arith.constant 512 : i32
      %scan3A_57 = arith.constant 0 : i32
      %scan3A_58 = arith.constant 0 : i32
      %scan3A_59 = arith.constant 64 : i32
      %scan3A_60 = arith.addi %scan3A_58, %scan3A_59 : i32
      %scan3A_61 = arith.constant 2 : i32
      %scan3A_62 = scf.for %scan3A_72 = %scan3A_58 to %scan3A_60 step %scan3A_61 iter_args(%scan3A_73 = %scan3A_57) -> (i32)  : i32 {
        %mul3A_74 = arith.constant 16 : i32
        %mul3A_75 = arith.muli %scan3A_72, %mul3A_74 : i32
        %add3A_76 = arith.constant 0 : i32
        %add3A_77 = arith.addi %add3A_76, %mul3A_75 : i32
        %mul3A_78 = arith.constant 16 : i32
        %mul3A_79 = arith.muli %scan3A_72, %mul3A_78 : i32
        %add3A_80 = arith.constant 1024 : i32
        %add3A_81 = arith.addi %add3A_80, %mul3A_79 : i32
        %mul3A_82 = arith.constant 16 : i32
        %mul3A_83 = arith.muli %scan3A_72, %mul3A_82 : i32
        %add3A_84 = arith.constant 2048 : i32
        %add3A_85 = arith.addi %add3A_84, %mul3A_83 : i32
        %mul3A_86 = arith.constant 16 : i32
        %mul3A_87 = arith.muli %scan3A_72, %mul3A_86 : i32
        %add3A_88 = arith.constant 3072 : i32
        %add3A_89 = arith.addi %add3A_88, %mul3A_87 : i32
        %get3A = arith.index_cast %add3A_77 : i32 to index
        %get3A_90 = tpu.vector_load %arg10[%get3A] {strides = array<i32>} : memref<8192xi32, #tpu.memory_space<vmem>>, vector<16xi32>,
        %get3A_91 = arith.index_cast %add3A_81 : i32 to index
        %get3A_92 = tpu.vector_load %arg10[%get3A_91] {strides = array<i32>} : memref<8192xi32, #tpu.memory_space<vmem>>, vector<16xi32>,
        %get3A_93 = arith.index_cast %add3A_85 : i32 to index
        %get3A_94 = tpu.vector_load %arg10[%get3A_93] {strides = array<i32>} : memref<8192xi32, #tpu.memory_space<vmem>>, vector<16xi32>,
        %get3A_95 = arith.index_cast %add3A_89 : i32 to index
        %get3A_96 = tpu.vector_load %arg10[%get3A_95] {strides = array<i32>} : memref<8192xi32, #tpu.memory_space<vmem>>, vector<16xi32>,
        %add3A_97 = arith.addi %get3A_90, %get3A_92 : vector<16xi32>
        %add3A_98 = arith.addi %get3A_94, %get3A_96 : vector<16xi32>
        %add3A_99 = arith.addi %add3A_97, %add3A_98 : vector<16xi32>
        %broadcast_in_dim3A_100 = arith.constant true
        %broadcast_in_dim3A_101 = vector.broadcast %broadcast_in_dim3A_100 : i1 to vector<16xi1>
        %masked_cumsum3A = tpu.scan <sum>, %add3A_99 masked %broadcast_in_dim3A_101 : vector<16xi32>, vector<16xi1> -> vector<16xi32>
        %sub3A = arith.subi %masked_cumsum3A, %add3A_99 : vector<16xi32>
        %add3A_102 = vector.broadcast %scan3A_73 : i32 to vector<16xi32>
        %add3A_103 = arith.addi %sub3A, %add3A_102 : vector<16xi32>
        %mul3A_104 = arith.constant 16 : i32
        %mul3A_105 = arith.muli %scan3A_72, %mul3A_104 : i32
        %swap3A = arith.index_cast %mul3A_105 : i32 to index
        %swap3A_106 = tpu.vector_load %arg6[%swap3A] {strides = array<i32>} : memref<2048xi32, #tpu.memory_space<vmem>>, vector<16xi32>,
        tpu.vector_store %arg6[%swap3A], %add3A_103 {strides = array<i32>} : memref<2048xi32, #tpu.memory_space<vmem>>, vector<16xi32>,
        %swap3A_107 = arith.index_cast %add3A_77 : i32 to index
        %swap3A_108 = tpu.vector_load %arg10[%swap3A_107] {strides = array<i32>} : memref<8192xi32, #tpu.memory_space<vmem>>, vector<16xi32>,
        tpu.vector_store %arg10[%swap3A_107], %broadcast_in_dim3A_1 {strides = array<i32>} : memref<8192xi32, #tpu.memory_space<vmem>>, vector<16xi32>,
        %add3A_109 = arith.addi %add3A_103, %get3A_90 : vector<16xi32>
        %swap3A_110 = arith.index_cast %mul3A_105 : i32 to index
        %swap3A_111 = tpu.vector_load %arg7[%swap3A_110] {strides = array<i32>} : memref<2048xi32, #tpu.memory_space<vmem>>, vector<16xi32>,
        tpu.vector_store %arg7[%swap3A_110], %add3A_109 {strides = array<i32>} : memref<2048xi32, #tpu.memory_space<vmem>>, vector<16xi32>,
        %swap3A_112 = arith.index_cast %add3A_81 : i32 to index
        %swap3A_113 = tpu.vector_load %arg10[%swap3A_112] {strides = array<i32>} : memref<8192xi32, #tpu.memory_space<vmem>>, vector<16xi32>,
        tpu.vector_store %arg10[%swap3A_112], %broadcast_in_dim3A_1 {strides = array<i32>} : memref<8192xi32, #tpu.memory_space<vmem>>, vector<16xi32>,
        %add3A_114 = arith.addi %add3A_109, %get3A_92 : vector<16xi32>
        %swap3A_115 = arith.index_cast %mul3A_105 : i32 to index
        %swap3A_116 = tpu.vector_load %arg8[%swap3A_115] {strides = array<i32>} : memref<2048xi32, #tpu.memory_space<vmem>>, vector<16xi32>,
        tpu.vector_store %arg8[%swap3A_115], %add3A_114 {strides = array<i32>} : memref<2048xi32, #tpu.memory_space<vmem>>, vector<16xi32>,
        %swap3A_117 = arith.index_cast %add3A_85 : i32 to index
        %swap3A_118 = tpu.vector_load %arg10[%swap3A_117] {strides = array<i32>} : memref<8192xi32, #tpu.memory_space<vmem>>, vector<16xi32>,
        tpu.vector_store %arg10[%swap3A_117], %broadcast_in_dim3A_1 {strides = array<i32>} : memref<8192xi32, #tpu.memory_space<vmem>>, vector<16xi32>,
        %add3A_119 = arith.addi %add3A_114, %get3A_94 : vector<16xi32>
        %swap3A_120 = arith.index_cast %mul3A_105 : i32 to index
        %swap3A_121 = tpu.vector_load %arg9[%swap3A_120] {strides = array<i32>} : memref<2048xi32, #tpu.memory_space<vmem>>, vector<16xi32>,
        tpu.vector_store %arg9[%swap3A_120], %add3A_119 {strides = array<i32>} : memref<2048xi32, #tpu.memory_space<vmem>>, vector<16xi32>,
        %swap3A_122 = arith.index_cast %add3A_89 : i32 to index
        %swap3A_123 = tpu.vector_load %arg10[%swap3A_122] {strides = array<i32>} : memref<8192xi32, #tpu.memory_space<vmem>>, vector<16xi32>,
        tpu.vector_store %arg10[%swap3A_122], %broadcast_in_dim3A_1 {strides = array<i32>} : memref<8192xi32, #tpu.memory_space<vmem>>, vector<16xi32>,
        %slice3A = vector.extract_strided_slice %masked_cumsum3A {offsets = [15], sizes = [1], strides = [1]} : vector<16xi32> to vector<1xi32>
        %squeeze3A = vector.extract %slice3A[0] : i32 from vector<1xi32>
        %add3A_124 = arith.addi %scan3A_73, %squeeze3A : i32
        %scan3A_125 = arith.constant 1 : i32
        %scan3A_126 = arith.addi %scan3A_72, %scan3A_125 : i32
        %mul3A_127 = arith.constant 16 : i32
        %mul3A_128 = arith.muli %scan3A_126, %mul3A_127 : i32
        %add3A_129 = arith.constant 0 : i32
        %add3A_130 = arith.addi %add3A_129, %mul3A_128 : i32
        %mul3A_131 = arith.constant 16 : i32
        %mul3A_132 = arith.muli %scan3A_126, %mul3A_131 : i32
        %add3A_133 = arith.constant 1024 : i32
        %add3A_134 = arith.addi %add3A_133, %mul3A_132 : i32
        %mul3A_135 = arith.constant 16 : i32
        %mul3A_136 = arith.muli %scan3A_126, %mul3A_135 : i32
        %add3A_137 = arith.constant 2048 : i32
        %add3A_138 = arith.addi %add3A_137, %mul3A_136 : i32
        %mul3A_139 = arith.constant 16 : i32
        %mul3A_140 = arith.muli %scan3A_126, %mul3A_139 : i32
        %add3A_141 = arith.constant 3072 : i32
        %add3A_142 = arith.addi %add3A_141, %mul3A_140 : i32
        %get3A_143 = arith.index_cast %add3A_130 : i32 to index
        %get3A_144 = tpu.vector_load %arg10[%get3A_143] {strides = array<i32>} : memref<8192xi32, #tpu.memory_space<vmem>>, vector<16xi32>,
        %get3A_145 = arith.index_cast %add3A_134 : i32 to index
        %get3A_146 = tpu.vector_load %arg10[%get3A_145] {strides = array<i32>} : memref<8192xi32, #tpu.memory_space<vmem>>, vector<16xi32>,
        %get3A_147 = arith.index_cast %add3A_138 : i32 to index
        %get3A_148 = tpu.vector_load %arg10[%get3A_147] {strides = array<i32>} : memref<8192xi32, #tpu.memory_space<vmem>>, vector<16xi32>,
        %get3A_149 = arith.index_cast %add3A_142 : i32 to index
        %get3A_150 = tpu.vector_load %arg10[%get3A_149] {strides = array<i32>} : memref<8192xi32, #tpu.memory_space<vmem>>, vector<16xi32>,
        %add3A_151 = arith.addi %get3A_144, %get3A_146 : vector<16xi32>
        %add3A_152 = arith.addi %get3A_148, %get3A_150 : vector<16xi32>
        %add3A_153 = arith.addi %add3A_151, %add3A_152 : vector<16xi32>
        %broadcast_in_dim3A_154 = arith.constant true
        %broadcast_in_dim3A_155 = vector.broadcast %broadcast_in_dim3A_154 : i1 to vector<16xi1>
        %masked_cumsum3A_156 = tpu.scan <sum>, %add3A_153 masked %broadcast_in_dim3A_155 : vector<16xi32>, vector<16xi1> -> vector<16xi32>
        %sub3A_157 = arith.subi %masked_cumsum3A_156, %add3A_153 : vector<16xi32>
        %add3A_158 = vector.broadcast %add3A_124 : i32 to vector<16xi32>
        %add3A_159 = arith.addi %sub3A_157, %add3A_158 : vector<16xi32>
        %mul3A_160 = arith.constant 16 : i32
        %mul3A_161 = arith.muli %scan3A_126, %mul3A_160 : i32
        %swap3A_162 = arith.index_cast %mul3A_161 : i32 to index
        %swap3A_163 = tpu.vector_load %arg6[%swap3A_162] {strides = array<i32>} : memref<2048xi32, #tpu.memory_space<vmem>>, vector<16xi32>,
        tpu.vector_store %arg6[%swap3A_162], %add3A_159 {strides = array<i32>} : memref<2048xi32, #tpu.memory_space<vmem>>, vector<16xi32>,
        %swap3A_164 = arith.index_cast %add3A_130 : i32 to index
        %swap3A_165 = tpu.vector_load %arg10[%swap3A_164] {strides = array<i32>} : memref<8192xi32, #tpu.memory_space<vmem>>, vector<16xi32>,
        tpu.vector_store %arg10[%swap3A_164], %broadcast_in_dim3A_1 {strides = array<i32>} : memref<8192xi32, #tpu.memory_space<vmem>>, vector<16xi32>,
        %add3A_166 = arith.addi %add3A_159, %get3A_144 : vector<16xi32>
        %swap3A_167 = arith.index_cast %mul3A_161 : i32 to index
        %swap3A_168 = tpu.vector_load %arg7[%swap3A_167] {strides = array<i32>} : memref<2048xi32, #tpu.memory_space<vmem>>, vector<16xi32>,
        tpu.vector_store %arg7[%swap3A_167], %add3A_166 {strides = array<i32>} : memref<2048xi32, #tpu.memory_space<vmem>>, vector<16xi32>,
        %swap3A_169 = arith.index_cast %add3A_134 : i32 to index
        %swap3A_170 = tpu.vector_load %arg10[%swap3A_169] {strides = array<i32>} : memref<8192xi32, #tpu.memory_space<vmem>>, vector<16xi32>,
        tpu.vector_store %arg10[%swap3A_169], %broadcast_in_dim3A_1 {strides = array<i32>} : memref<8192xi32, #tpu.memory_space<vmem>>, vector<16xi32>,
        %add3A_171 = arith.addi %add3A_166, %get3A_146 : vector<16xi32>
        %swap3A_172 = arith.index_cast %mul3A_161 : i32 to index
        %swap3A_173 = tpu.vector_load %arg8[%swap3A_172] {strides = array<i32>} : memref<2048xi32, #tpu.memory_space<vmem>>, vector<16xi32>,
        tpu.vector_store %arg8[%swap3A_172], %add3A_171 {strides = array<i32>} : memref<2048xi32, #tpu.memory_space<vmem>>, vector<16xi32>,
        %swap3A_174 = arith.index_cast %add3A_138 : i32 to index
        %swap3A_175 = tpu.vector_load %arg10[%swap3A_174] {strides = array<i32>} : memref<8192xi32, #tpu.memory_space<vmem>>, vector<16xi32>,
        tpu.vector_store %arg10[%swap3A_174], %broadcast_in_dim3A_1 {strides = array<i32>} : memref<8192xi32, #tpu.memory_space<vmem>>, vector<16xi32>,
        %add3A_176 = arith.addi %add3A_171, %get3A_148 : vector<16xi32>
        %swap3A_177 = arith.index_cast %mul3A_161 : i32 to index
        %swap3A_178 = tpu.vector_load %arg9[%swap3A_177] {strides = array<i32>} : memref<2048xi32, #tpu.memory_space<vmem>>, vector<16xi32>,
        tpu.vector_store %arg9[%swap3A_177], %add3A_176 {strides = array<i32>} : memref<2048xi32, #tpu.memory_space<vmem>>, vector<16xi32>,
        %swap3A_179 = arith.index_cast %add3A_142 : i32 to index
        %swap3A_180 = tpu.vector_load %arg10[%swap3A_179] {strides = array<i32>} : memref<8192xi32, #tpu.memory_space<vmem>>, vector<16xi32>,
        tpu.vector_store %arg10[%swap3A_179], %broadcast_in_dim3A_1 {strides = array<i32>} : memref<8192xi32, #tpu.memory_space<vmem>>, vector<16xi32>,
        %slice3A_181 = vector.extract_strided_slice %masked_cumsum3A_156 {offsets = [15], sizes = [1], strides = [1]} : vector<16xi32> to vector<1xi32>
        %squeeze3A_182 = vector.extract %slice3A_181[0] : i32 from vector<1xi32>
        %add3A_183 = arith.addi %add3A_124, %squeeze3A_182 : i32
        scf.yield %add3A_183 : i32
      }
      %scan3A_63 = arith.constant 64 : i32
      %scan3A_64 = arith.constant 0 : i32
      %scan3A_65 = arith.constant 0 : i32
      %scan3A_66 = arith.constant 512 : i32
      %scan3A_67 = arith.addi %scan3A_65, %scan3A_66 : i32
      %scan3A_68 = arith.constant 1 : i32
      %scan3A_69 = scf.for %scan3A_72 = %scan3A_65 to %scan3A_67 step %scan3A_68 iter_args(%scan3A_73 = %scan3A_64) -> (i32)  : i32 {
        %add3A_74 = arith.constant 0 : i32
        %add3A_75 = arith.addi %add3A_74, %scan3A_72 : i32
        %mul3A_76 = arith.constant 16 : i32
        %mul3A_77 = arith.muli %add3A_75, %mul3A_76 : i32
        %get3A = arith.index_cast %mul3A_77 : i32 to index
        %get3A_78 = tpu.vector_load %arg4[%get3A] {strides = array<i32>} : memref<32768xf32, #tpu.memory_space<vmem>>, vector<16xf32>,
        %bitcast3A = vector.bitcast %get3A_78 : vector<16xf32> to vector<16xi32>
        %add3A_79 = arith.constant 512 : i32
        %add3A_80 = arith.addi %add3A_79, %scan3A_72 : i32
        %mul3A_81 = arith.constant 16 : i32
        %mul3A_82 = arith.muli %add3A_80, %mul3A_81 : i32
        %get3A_83 = arith.index_cast %mul3A_82 : i32 to index
        %get3A_84 = tpu.vector_load %arg4[%get3A_83] {strides = array<i32>} : memref<32768xf32, #tpu.memory_space<vmem>>, vector<16xf32>,
        %bitcast3A_85 = vector.bitcast %get3A_84 : vector<16xf32> to vector<16xi32>
        %add3A_86 = arith.constant 1024 : i32
        %add3A_87 = arith.addi %add3A_86, %scan3A_72 : i32
        %mul3A_88 = arith.constant 16 : i32
        %mul3A_89 = arith.muli %add3A_87, %mul3A_88 : i32
        %get3A_90 = arith.index_cast %mul3A_89 : i32 to index
        %get3A_91 = tpu.vector_load %arg4[%get3A_90] {strides = array<i32>} : memref<32768xf32, #tpu.memory_space<vmem>>, vector<16xf32>,
        %bitcast3A_92 = vector.bitcast %get3A_91 : vector<16xf32> to vector<16xi32>
        %add3A_93 = arith.constant 1536 : i32
        %add3A_94 = arith.addi %add3A_93, %scan3A_72 : i32
        %mul3A_95 = arith.constant 16 : i32
        %mul3A_96 = arith.muli %add3A_94, %mul3A_95 : i32
        %get3A_97 = arith.index_cast %mul3A_96 : i32 to index
        %get3A_98 = tpu.vector_load %arg4[%get3A_97] {strides = array<i32>} : memref<32768xf32, #tpu.memory_space<vmem>>, vector<16xf32>,
        %bitcast3A_99 = vector.bitcast %get3A_98 : vector<16xf32> to vector<16xi32>
        %shift_right_arithmetic3A = arith.constant 22 : i32
        %shift_right_arithmetic3A_100 = vector.broadcast %shift_right_arithmetic3A : i32 to vector<16xi32>
        %shift_right_arithmetic3A_101 = arith.shrsi %bitcast3A, %shift_right_arithmetic3A_100 : vector<16xi32>
        %and3A = arith.constant 1023 : i32
        %and3A_102 = vector.broadcast %and3A : i32 to vector<16xi32>
        %and3A_103 = arith.andi %shift_right_arithmetic3A_101, %and3A_102 : vector<16xi32>
        %shift_right_arithmetic3A_104 = arith.constant 22 : i32
        %shift_right_arithmetic3A_105 = vector.broadcast %shift_right_arithmetic3A_104 : i32 to vector<16xi32>
        %shift_right_arithmetic3A_106 = arith.shrsi %bitcast3A_85, %shift_right_arithmetic3A_105 : vector<16xi32>
        %and3A_107 = arith.constant 1023 : i32
        %and3A_108 = vector.broadcast %and3A_107 : i32 to vector<16xi32>
        %and3A_109 = arith.andi %shift_right_arithmetic3A_106, %and3A_108 : vector<16xi32>
        %shift_right_arithmetic3A_110 = arith.constant 22 : i32
        %shift_right_arithmetic3A_111 = vector.broadcast %shift_right_arithmetic3A_110 : i32 to vector<16xi32>
        %shift_right_arithmetic3A_112 = arith.shrsi %bitcast3A_92, %shift_right_arithmetic3A_111 : vector<16xi32>
        %and3A_113 = arith.constant 1023 : i32
        %and3A_114 = vector.broadcast %and3A_113 : i32 to vector<16xi32>
        %and3A_115 = arith.andi %shift_right_arithmetic3A_112, %and3A_114 : vector<16xi32>
        %shift_right_arithmetic3A_116 = arith.constant 22 : i32
        %shift_right_arithmetic3A_117 = vector.broadcast %shift_right_arithmetic3A_116 : i32 to vector<16xi32>
        %shift_right_arithmetic3A_118 = arith.shrsi %bitcast3A_99, %shift_right_arithmetic3A_117 : vector<16xi32>
        %and3A_119 = arith.constant 1023 : i32
        %and3A_120 = vector.broadcast %and3A_119 : i32 to vector<16xi32>
        %and3A_121 = arith.andi %shift_right_arithmetic3A_118, %and3A_120 : vector<16xi32>
        %broadcast_in_dim3A_122 = arith.constant true
        %broadcast_in_dim3A_123 = vector.broadcast %broadcast_in_dim3A_122 : i1 to vector<16xi1>
        %unique3A, %unique3A_124 = tpu.scan_count mask(%broadcast_in_dim3A_123 : vector<16xi1>) value(%and3A_103 : vector<16xi32>) : vector<16xi1>, vector<16xi32>
        %broadcast_in_dim3A_125 = arith.constant true
        %broadcast_in_dim3A_126 = vector.broadcast %broadcast_in_dim3A_125 : i1 to vector<16xi1>
        %unique3A_127, %unique3A_128 = tpu.scan_count mask(%broadcast_in_dim3A_126 : vector<16xi1>) value(%and3A_109 : vector<16xi32>) : vector<16xi1>, vector<16xi32>
        %broadcast_in_dim3A_129 = arith.constant true
        %broadcast_in_dim3A_130 = vector.broadcast %broadcast_in_dim3A_129 : i1 to vector<16xi1>
        %unique3A_131, %unique3A_132 = tpu.scan_count mask(%broadcast_in_dim3A_130 : vector<16xi1>) value(%and3A_115 : vector<16xi32>) : vector<16xi1>, vector<16xi32>
        %broadcast_in_dim3A_133 = arith.constant true
        %broadcast_in_dim3A_134 = vector.broadcast %broadcast_in_dim3A_133 : i1 to vector<16xi1>
        %unique3A_135, %unique3A_136 = tpu.scan_count mask(%broadcast_in_dim3A_134 : vector<16xi1>) value(%and3A_121 : vector<16xi32>) : vector<16xi1>, vector<16xi32>
        %gather3A = tpu.vector_load_idx %arg6[%and3A_103] : memref<2048xi32, #tpu.memory_space<vmem>>[vector<16xi32>], vector<16xi32>,
        %gather3A_137 = tpu.vector_load_idx %arg7[%and3A_109] : memref<2048xi32, #tpu.memory_space<vmem>>[vector<16xi32>], vector<16xi32>,
        %gather3A_138 = tpu.vector_load_idx %arg8[%and3A_115] : memref<2048xi32, #tpu.memory_space<vmem>>[vector<16xi32>], vector<16xi32>,
        %gather3A_139 = tpu.vector_load_idx %arg9[%and3A_121] : memref<2048xi32, #tpu.memory_space<vmem>>[vector<16xi32>], vector<16xi32>,
        %add3A_140 = arith.addi %gather3A, %unique3A_124 : vector<16xi32>
        %add3A_141 = arith.addi %gather3A_137, %unique3A_128 : vector<16xi32>
        %add3A_142 = arith.addi %gather3A_138, %unique3A_132 : vector<16xi32>
        %add3A_143 = arith.addi %gather3A_139, %unique3A_136 : vector<16xi32>
        %sub3A = arith.constant 1 : i32
        %sub3A_144 = vector.broadcast %sub3A : i32 to vector<16xi32>
        %sub3A_145 = arith.subi %add3A_140, %sub3A_144 : vector<16xi32>
        %sub3A_146 = arith.constant 1 : i32
        %sub3A_147 = vector.broadcast %sub3A_146 : i32 to vector<16xi32>
        %sub3A_148 = arith.subi %add3A_141, %sub3A_147 : vector<16xi32>
        %sub3A_149 = arith.constant 1 : i32
        %sub3A_150 = vector.broadcast %sub3A_149 : i32 to vector<16xi32>
        %sub3A_151 = arith.subi %add3A_142, %sub3A_150 : vector<16xi32>
        %sub3A_152 = arith.constant 1 : i32
        %sub3A_153 = vector.broadcast %sub3A_152 : i32 to vector<16xi32>
        %sub3A_154 = arith.subi %add3A_143, %sub3A_153 : vector<16xi32>
        %not3A = arith.constant dense<-1> : vector<16xi32>
        %not3A_155 = arith.xori %bitcast3A, %not3A : vector<16xi32>
        %shift_right_arithmetic3A_156 = arith.constant 31 : i32
        %shift_right_arithmetic3A_157 = vector.broadcast %shift_right_arithmetic3A_156 : i32 to vector<16xi32>
        %shift_right_arithmetic3A_158 = arith.shrsi %not3A_155, %shift_right_arithmetic3A_157 : vector<16xi32>
        %or3A = arith.constant -2147483648 : i32
        %or3A_159 = vector.broadcast %or3A : i32 to vector<16xi32>
        %or3A_160 = arith.ori %shift_right_arithmetic3A_158, %or3A_159 : vector<16xi32>
        %xor3A = arith.xori %bitcast3A, %or3A_160 : vector<16xi32>
        %not3A_161 = arith.constant dense<-1> : vector<16xi32>
        %not3A_162 = arith.xori %bitcast3A_85, %not3A_161 : vector<16xi32>
        %shift_right_arithmetic3A_163 = arith.constant 31 : i32
        %shift_right_arithmetic3A_164 = vector.broadcast %shift_right_arithmetic3A_163 : i32 to vector<16xi32>
        %shift_right_arithmetic3A_165 = arith.shrsi %not3A_162, %shift_right_arithmetic3A_164 : vector<16xi32>
        %or3A_166 = arith.constant -2147483648 : i32
        %or3A_167 = vector.broadcast %or3A_166 : i32 to vector<16xi32>
        %or3A_168 = arith.ori %shift_right_arithmetic3A_165, %or3A_167 : vector<16xi32>
        %xor3A_169 = arith.xori %bitcast3A_85, %or3A_168 : vector<16xi32>
        %not3A_170 = arith.constant dense<-1> : vector<16xi32>
        %not3A_171 = arith.xori %bitcast3A_92, %not3A_170 : vector<16xi32>
        %shift_right_arithmetic3A_172 = arith.constant 31 : i32
        %shift_right_arithmetic3A_173 = vector.broadcast %shift_right_arithmetic3A_172 : i32 to vector<16xi32>
        %shift_right_arithmetic3A_174 = arith.shrsi %not3A_171, %shift_right_arithmetic3A_173 : vector<16xi32>
        %or3A_175 = arith.constant -2147483648 : i32
        %or3A_176 = vector.broadcast %or3A_175 : i32 to vector<16xi32>
        %or3A_177 = arith.ori %shift_right_arithmetic3A_174, %or3A_176 : vector<16xi32>
        %xor3A_178 = arith.xori %bitcast3A_92, %or3A_177 : vector<16xi32>
        %not3A_179 = arith.constant dense<-1> : vector<16xi32>
        %not3A_180 = arith.xori %bitcast3A_99, %not3A_179 : vector<16xi32>
        %shift_right_arithmetic3A_181 = arith.constant 31 : i32
        %shift_right_arithmetic3A_182 = vector.broadcast %shift_right_arithmetic3A_181 : i32 to vector<16xi32>
        %shift_right_arithmetic3A_183 = arith.shrsi %not3A_180, %shift_right_arithmetic3A_182 : vector<16xi32>
        %or3A_184 = arith.constant -2147483648 : i32
        %or3A_185 = vector.broadcast %or3A_184 : i32 to vector<16xi32>
        %or3A_186 = arith.ori %shift_right_arithmetic3A_183, %or3A_185 : vector<16xi32>
        %xor3A_187 = arith.xori %bitcast3A_99, %or3A_186 : vector<16xi32>
        %bitcast3A_188 = vector.bitcast %xor3A : vector<16xi32> to vector<16xf32>
        tpu.vector_store_idx %arg5[%sub3A_145], %bitcast3A_188 : memref<32768xf32, #tpu.memory_space<vmem>>[vector<16xi32>], vector<16xf32>,
        tpu.vector_store_idx %arg6[%and3A_103], %add3A_140 masked %unique3A : memref<2048xi32, #tpu.memory_space<vmem>>[vector<16xi32>], vector<16xi32>, vector<16xi1>
        %bitcast3A_189 = vector.bitcast %xor3A_169 : vector<16xi32> to vector<16xf32>
        tpu.vector_store_idx %arg5[%sub3A_148], %bitcast3A_189 : memref<32768xf32, #tpu.memory_space<vmem>>[vector<16xi32>], vector<16xf32>,
        tpu.vector_store_idx %arg7[%and3A_109], %add3A_141 masked %unique3A_127 : memref<2048xi32, #tpu.memory_space<vmem>>[vector<16xi32>], vector<16xi32>, vector<16xi1>
        %bitcast3A_190 = vector.bitcast %xor3A_178 : vector<16xi32> to vector<16xf32>
        tpu.vector_store_idx %arg5[%sub3A_151], %bitcast3A_190 : memref<32768xf32, #tpu.memory_space<vmem>>[vector<16xi32>], vector<16xf32>,
        tpu.vector_store_idx %arg8[%and3A_115], %add3A_142 masked %unique3A_131 : memref<2048xi32, #tpu.memory_space<vmem>>[vector<16xi32>], vector<16xi32>, vector<16xi1>
        %bitcast3A_191 = vector.bitcast %xor3A_187 : vector<16xi32> to vector<16xf32>
        tpu.vector_store_idx %arg5[%sub3A_154], %bitcast3A_191 : memref<32768xf32, #tpu.memory_space<vmem>>[vector<16xi32>], vector<16xf32>,
        tpu.vector_store_idx %arg9[%and3A_121], %add3A_143 masked %unique3A_135 : memref<2048xi32, #tpu.memory_space<vmem>>[vector<16xi32>], vector<16xi32>, vector<16xi1>
        %scan3A_192 = arith.constant 0 : i32
        scf.yield %scan3A_192 : i32
      }
      %scan3A_70 = arith.constant 512 : i32
      "tpu.region"() ({
        %run_scoped3A = tpu.sem_alloc : memref<!tpu.dma_semaphore, #tpu.memory_space<semaphore_mem>>
        %dma_start3A = arith.constant 0 : i32
        %dma_start3A_72 = tpu.memref_slice %arg3[%add3A_14, %dma_start3A] : memref<128x32768xf32, #tpu.memory_space<hbm>> -> memref<1x32768xf32, #tpu.memory_space<hbm>>
        %dma_start3A_73 = tpu.memref_squeeze %dma_start3A_72 : memref<1x32768xf32, #tpu.memory_space<hbm>> -> memref<32768xf32, #tpu.memory_space<hbm>>
        %dma_start3A_74 = arith.constant 0 : i32
        %dma_start3A_75 = tpu.memref_slice %arg3[%add3A_14, %dma_start3A_74] : memref<128x32768xf32, #tpu.memory_space<hbm>> -> memref<1x32768xf32, #tpu.memory_space<hbm>>
        %dma_start3A_76 = tpu.memref_squeeze %dma_start3A_75 : memref<1x32768xf32, #tpu.memory_space<hbm>> -> memref<32768xf32, #tpu.memory_space<hbm>>
        tpu.enqueue_dma source(%arg5 : memref<32768xf32, #tpu.memory_space<vmem>>) target(%dma_start3A_76 : memref<32768xf32, #tpu.memory_space<hbm>>) target_semaphore(%run_scoped3A : memref<!tpu.dma_semaphore, #tpu.memory_space<semaphore_mem>>)
        %dma_wait3A = arith.constant 0 : i32
        %dma_wait3A_77 = tpu.memref_slice %arg3[%add3A_14, %dma_wait3A] : memref<128x32768xf32, #tpu.memory_space<hbm>> -> memref<1x32768xf32, #tpu.memory_space<hbm>>
        %dma_wait3A_78 = tpu.memref_squeeze %dma_wait3A_77 : memref<1x32768xf32, #tpu.memory_space<hbm>> -> memref<32768xf32, #tpu.memory_space<hbm>>
        %dma_wait3A_79 = arith.constant 0 : i32
        %dma_wait3A_80 = tpu.memref_slice %arg3[%add3A_14, %dma_wait3A_79] : memref<128x32768xf32, #tpu.memory_space<hbm>> -> memref<1x32768xf32, #tpu.memory_space<hbm>>
        %dma_wait3A_81 = tpu.memref_squeeze %dma_wait3A_80 : memref<1x32768xf32, #tpu.memory_space<hbm>> -> memref<32768xf32, #tpu.memory_space<hbm>>
        tpu.wait_dma2 semaphore(%run_scoped3A : memref<!tpu.dma_semaphore, #tpu.memory_space<semaphore_mem>>) src(%arg5 : memref<32768xf32, #tpu.memory_space<vmem>>) dst(%dma_wait3A_81 : memref<32768xf32, #tpu.memory_space<hbm>>)
        tpu.yield
      }) : () -> ()
      %scan3A_71 = arith.constant 0 : i32
      scf.yield %scan3A_71 : i32
    }
    %scan3A_9 = arith.constant 4 : i32
    return
  }
}

</mosaic_0001>

<sc_bundles>
// kernel: kernel.3.cloned.1.call-start
scs
__scs_entry_jumppad:
0x0: {  	(pc) =	sbr.rel $0x88, $3  }
0x1: {  	(tag) =	ssettag $0x0;
	lr =	simm.s32 $0x1  }
0x2: {  	[smem:$0x3FA0] =	sst lr;
	_ =	strace $0xD0000000  }
0x3: {  	_ = 	snop  }
0x4: {  	_ = 	snop  }
0x5: {  	_ = 	snop  }
0x6: {  	_ = 	snop  }
0x7: {  	_ = 	snop  }
__scs_overlays_trampoline_lowered:
0x8: {  	[smem:$0x3FAF] =	sst s0  }
0x9: {  	[smem:$0x3FB0] =	sst s1  }
0xa: {  	[smem:$0x3FB1] =	sst s2  }
0xb: {  	[smem:$0x3FB2] =	sst s3  }
0xc: {  	[smem:$0x3FB3] =	sst s4  }
0xd: {  	[smem:$0x3FB4] =	sst s5  }
0xe: {  	[smem:$0x3FB5] =	sst s6  }
0xf: {  	[smem:$0x3FB6] =	sst s7  }
0x10: {  	[smem:$0x3FB7] =	sst s8  }
0x11: {  	[smem:$0x3FB8] =	sst s9;
	s0 =	simm.s32 @!p0 $0x0  }
0x12: {  	s1 =	sld [smem:$0x3F9E];
	s0 =	simm.s32 @p0 $0x1  }
0x13: {  	[smem:$0x3FB9] =	sst s0;
	s0 =	simm.s32 @!p1 $0x0  }
0x14: {  	s2 =	sld [smem:$0x3F9D];
	s0 =	simm.s32 @p1 $0x1  }
0x15: {  	[smem:$0x3FBA] =	sst s0;
	s0 =	simm.s32 @!p2 $0x0  }
0x16: {  	s3 =	sld [smem:$0x3FDB];
	s0 =	simm.s32 @p2 $0x1  }
0x17: {  	s4 =	simm.s32 $0x1BF5;
	[smem:$0x3FBC] =	sst s0  }
0x18: {  	s0 =	sld [smem:$0x3F9F];
	_ =	swait.ge [sflag:s4], $0x0  }
0x19: {  	s7 =	sld [smem:$0x3FA0]  }
0x1a: {  	s8 =	sadd.s32 $0xFFFFE003, lr  }
0x1b: {  	s9 =	sadd.s32 $0xFFFFFEF7, lr;
	s5 =	simm.s32 $0xFFFFFFFF;
	p2 =	slt.u32 s8, $0xFFFFF086  }
0x1c: {  	p1 =	slt.u32 s9, $0xF7A;
	s5 =	simm.s32 @!p2 $0x0  }
0x1d: {  	s5 =	simm.s32 @p1 $0x1;
	p0 =	seq.s32 s7, s2  }
0x1e: {  	s7 =	smul.u32 @!p0 $0xF7A, s2;
	p2 =	seq.s32 @!p0 s5, $0x0  }
0x1f: {  	s9 =	smul.u32 $0xF7A, s1;
	s8 =	simm.s32 @!p0 $0x1BF5;
	p2 =	por !p2, p0  }
0x20: {  	[sflag:s8] =	ssyncset.s32 @!p0 $0xFFFFF086;
	s6 =	sadd.s32 @!p0 s3, s7;
	s7 =	simm.s32 @!p0 $0x108  }
0x21: {  	s3 =	sadd.s32 s3, s9;
	s6 =	sadd.s32 @!p0 $0x88, s6;
	s7 =	simm.s32 @p2 $0x1082  }
0x22: {  	[simem:s7], [sflag:s8] =	dma.local @!p0 [hbm:s6], $0xF7A  }
0x23: {  	s9 =	sor.u32 $0xD0000000, s2;
	s6 =	simm.s32 $0x108;
	_ =	swait.ge @!p0 [sflag:s8], $0x0  }
0x24: {  	s3 =	sadd.s32 $0x88, s3;
	s6 =	simm.s32 @!p1 $0x1082;
	[sflag:s4] =	ssyncset.s32 $0xFFFFF086  }
0x25: {  	[simem:s6], [sflag:s4] =	dma.local [hbm:s3], $0xF7A  }
0x26: {  	[smem:$0x3FA0] =	sst s1;
	(tag) =	ssettag s2;
	_ =	strace s9  }
0x27: {  	s1 =	sld [smem:$0x3FB0]  }
0x28: {  	s2 =	sld [smem:$0x3FB1]  }
0x29: {  	s4 =	sld [smem:$0x3FB3]  }
0x2a: {  	p0 =	seq.s32 s5, $0x0;
	s5 =	sld [smem:$0x3FB4]  }
0x2b: {  	s6 =	sld [smem:$0x3FB5]  }
0x2c: {  	s7 =	sld [smem:$0x3FB6]  }
0x2d: {  	s3 =	simm.s32 $0x108;
	s8 =	sld [smem:$0x3FB7]  }
0x2e: {  	s3 =	simm.s32 @!p0 $0x1082;
	s9 =	sld [smem:$0x3FB8]  }
0x2f: {  	lr =	sadd.s32 s0, s3;
	s0 =	sld [smem:$0x3FAF]  }
0x30: {  	s3 =	sld [smem:$0x3FB2]  }
0x31: {  	[smem:$0x3FBB] =	sst s10  }
0x32: {  	s10 =	sld [smem:$0x3FB9];
	_ =	sdelay $0x3  }
0x33: {  	p0 =	seq.s32 s10, $0x1;
	s10 =	sld [smem:$0x3FBB];
	_ =	sdelay $0x3  }
0x34: {  	[smem:$0x3FBB] =	sst s10  }
0x35: {  	s10 =	sld [smem:$0x3FBA];
	_ =	sdelay $0x3  }
0x36: {  	p1 =	seq.s32 s10, $0x1;
	s10 =	sld [smem:$0x3FBB];
	_ =	sdelay $0x3  }
0x37: {  	[smem:$0x3FBB] =	sst s10  }
0x38: {  	s10 =	sld [smem:$0x3FBC]  }
0x39: {  	_ = 	snop;
	(pc) =	sbr.ind lr, $3  }
0x3a: {  	_ = 	snop  }
0x3b: {  	_ = 	snop  }
0x3c: {  	p2 =	seq.s32 s10, $0x1;
	s10 =	sld [smem:$0x3FBB]  }
0x3d: {  	_ =	shalt  }
0x3e: {  	_ =	shalt  }
0x3f: {  	_ =	shalt  }
0x40: {  	_ =	shalt  }
0x41: {  	_ =	shalt  }
0x42: {  	_ =	shalt  }
0x43: {  	_ =	shalt  }
0x44: {  	_ =	shalt  }
0x45: {  	_ =	shalt  }
0x46: {  	_ =	shalt  }
0x47: {  	_ =	shalt  }
0x48: {  	_ =	shalt  }
0x49: {  	_ =	shalt  }
0x4a: {  	_ =	shalt  }
0x4b: {  	_ =	shalt  }
0x4c: {  	_ =	shalt  }
0x4d: {  	_ =	shalt  }
0x4e: {  	_ =	shalt  }
0x4f: {  	_ =	shalt  }
0x50: {  	_ =	shalt  }
0x51: {  	_ =	shalt  }
0x52: {  	_ =	shalt  }
0x53: {  	_ =	shalt  }
0x54: {  	_ =	shalt  }
0x55: {  	_ =	shalt  }
0x56: {  	_ =	shalt  }
0x57: {  	_ =	shalt  }
0x58: {  	_ =	shalt  }
0x59: {  	_ =	shalt  }
0x5a: {  	_ =	shalt  }
0x5b: {  	_ =	shalt  }
0x5c: {  	_ =	shalt  }
0x5d: {  	_ =	shalt  }
0x5e: {  	_ =	shalt  }
0x5f: {  	_ =	shalt  }
0x60: {  	_ =	shalt  }
0x61: {  	_ =	shalt  }
0x62: {  	_ =	shalt  }
0x63: {  	_ =	shalt  }
0x64: {  	_ =	shalt  }
0x65: {  	_ =	shalt  }
0x66: {  	_ =	shalt  }
0x67: {  	_ =	shalt  }
0x68: {  	_ =	shalt  }
0x69: {  	_ =	shalt  }
0x6a: {  	_ =	shalt  }
0x6b: {  	_ =	shalt  }
0x6c: {  	_ =	shalt  }
0x6d: {  	_ =	shalt  }
0x6e: {  	_ =	shalt  }
0x6f: {  	_ =	shalt  }
0x70: {  	_ =	shalt  }
0x71: {  	_ =	shalt  }
0x72: {  	_ =	shalt  }
0x73: {  	_ =	shalt  }
0x74: {  	_ =	shalt  }
0x75: {  	_ =	shalt  }
0x76: {  	_ =	shalt  }
0x77: {  	_ =	shalt  }
0x78: {  	_ =	shalt  }
0x79: {  	_ =	shalt  }
0x7a: {  	_ =	shalt  }
0x7b: {  	_ =	shalt  }
0x7c: {  	_ =	shalt  }
0x7d: {  	_ =	shalt  }
0x7e: {  	_ =	shalt  }
0x7f: {  	_ =	shalt  }
0x80: {  	_ =	shalt  }
0x81: {  	_ =	shalt  }
0x82: {  	_ =	shalt  }
0x83: {  	_ =	shalt  }
0x84: {  	_ =	shalt  }
0x85: {  	_ =	shalt  }
0x86: {  	_ =	shalt  }
0x87: {  	_ =	shalt  }
.Lfunc_end0:
.L_simem_size_0:
called_computation_lowered:
.L_overlay_start_0:
0x88: {  	s2 =	sld [smem:$0x3FD9]  }
0x89: {  	s3 =	sld [smem:$0x3FFE];
	_ =	sdelay $0x1  }
0x8a: {  	s1 =	srdreg.scid  }
0x8b: {  	s0 =	sand.u32 $0x1, s1  }
0x8c: {  	s18 =	sshll.u32 s0, $0xA;
	s2 =	sadd.s32 s3, s2  }
0x8d: {  	s2 =	sadd.s32 s2, s18  }
0x8e: {  	[smem:$0x3FC7] =	sst s2  }
0x8f: {  	_ = 	snop  }
0x90: {  	s2 =	sld [smem:$0x3FC9]  }
0x91: {  	s19 =	sld [smem:$0x3FD0];
	(tm) =	ssettm $0x1  }
0x92: {  	s4 =	sld [smem:$0x3FFB];
	_ =	sdelay $0x3  }
0x93: {  	_ =	strace s4  }
0x94: {  	s4 =	sld [smem:$0x3FFC];
	_ =	sdelay $0x3  }
0x95: {  	_ =	strace s4  }
0x96: {  	s4 =	sld [smem:$0x3FFD];
	_ =	sdelay $0x3  }
0x97: {  	_ =	strace s4  }
0x98: {  	_ =	strace $0x8FFFFFFF  }
0x99: {  	s20 =	sld [smem:$0x3FDB];
	_ =	sdelay $0x1  }
0x9a: {  	s5 =	simm.s32 $_scs_section_size  }
0x9b: {  	s6 =	simm.s32 $_size__tile_overlayer_lowered;
	s7 =	simm.s32 $_tile_overlayer_lowered  }
0x9c: {  	s23 =	simm.s32 $0x1BFF;
	s22 =	sshll.u32 s7, $0x1;
	s4 =	sadd.s32 s5, s20  }
0x9d: {  	s8 =	simm.s32 $0x0;
	s21 =	sshll.u32 s6, $0x1;
	s6 =	sadd.s32 s22, s4  }
0x9e: {  	[timem:s8], [sflag:s23] =	dma.local [hbm:s6], s21  }
0x9f: {  	_ =	swait.ge [sflag:s23], s21  }
0xa0: {  	s5 =	ssub.s32 $0x0, s21;
	[sflag:s23] =	ssyncset.done $0x0  }
0xa1: {  	[sflag:s23] =	ssyncadd.s32 s5;
	_ =	sdelay $0x1  }
0xa2: {  	s24 =	simm.s32 $0x1B8B  }
0xa3: {  	_ =	swait.ge [sflag:s24], $0x1  }
0xa4: {  	[sflag:s24] =	ssyncset.done $0x0  }
0xa5: {  	s25 =	simm.s32 $0x1B8E;
	[sflag:s24] =	ssyncadd.s32 $0xFFFFFFFF  }
0xa6: {  	s26 =	simm.s32 $execute0_lowered;
	[smem:$0x3FD2] =	sst s25  }
0xa7: {  	s5 =	sshll.u32 s26, $0x1;
	_ =	strace $0x80000046;
	[dreg:$0x1] =	wrdreg $0xFFFFFFFF  }
0xa8: {  	s28 =	simm.s32 $_size_execute0_lowered;
	s4 =	sadd.s32 s4, s5;
	[dreg:$0x0] =	wrdreg $0x0  }
0xa9: {  	s5 =	sshll.u32 s28, $0x1;
	[dreg:$0x2] =	wrdreg s4  }
0xaa: {  	[dreg:$0x3] =	wrdreg s5  }
0xab: {  	[dreg:$0x4] =	wrdreg $0xC0  }
0xac: {  	_ =	task [dreg:s8], $0x5FFFF  }
0xad: {  	[dreg:$0x1] =	wrdreg $0xFFFFFFFF  }
0xae: {  	[dreg:$0x0] =	wrdreg $0x60  }
0xaf: {  	[dreg:$0x2] =	wrdreg s2  }
0xb0: {  	[dreg:$0x3] =	wrdreg s19  }
0xb1: {  	[dreg:$0x4] =	wrdreg $0x9  }
0xb2: {  	_ =	task.clear_ibuf [dreg:s8], $0x5FFFF;
	_ =	strace $0x90000046  }
0xb3: {  	s29 =	simm.s32 $0x9;
	_ =	strace $0x80000048  }
0xb4: {  	_ =	swait.ge [sflag:s29], $0x1  }
0xb5: {  	[sflag:s29] =	ssyncadd.s32 $0xFFFFFFFF  }
0xb6: {  	_ =	strace $0x90000048  }
0xb7: {  	_ =	sfence  }
0xb8: {  	s30 =	sld [smem:$0x0];
	_ =	sdelay $0x2  }
0xb9: {  	s31 =	sshll.u32 s1, $0xD;
	s1 =	sshrl.u32 s1, $0x2  }
0xba: {  	s3 =	sand.u32 $0x4000, s31;
	s1 =	sadd.s32 s1, s30  }
0xbb: {  	s0 =	sor.u32 s3, s0;
	s1 =	sshll.u32 s1, $0x11  }
0xbc: {  	s0 =	sor.u32 s1, s0  }
0xbd: {  	s0 =	sadd.s32 $0x8F2B, s0  }
0xbe: {  	[sflag:s0] =	ssyncadd.remote.s32 $0x1  }
0xbf: {  	_ =	sfence.sel $0xFFFF  }
0xc0: {  	[dreg:$0x0] =	wrdreg $0xFFFFFFFF;
	(pc) =	sbr.abs _section_cstart, $3  }
0xc1: {  	[dreg:$0x1] =	wrdreg $0xFFFFFFFF  }
0xc2: {  	_ =	task.clear_ibuf [dreg:s8], $0x2FFFF;
	_ =	strace $0x9FFFFFFF  }
0xc3: {  	(tm) =	ssettm $0x7FFFFFFF  }
tec
execute0_lowered:
.L_overlay_start_1:
0x0: {  	(tag) =	ssettag $0x1  }
0x1: {  	s1 =	rddreg [dreg:$0x0]  }
0x2: {  	s0 =	srdreg.scid;
	s2 =	rddreg [dreg:$0x1];
	s4 =	simm.s32 $0x0  }
0x3: {  	s3 =	stileid.u32;
	s8 =	simm.s32 $0x400;
	s9 =	simm.s32 $0x1  }
0x4: {  	s10 =	simm.s32 $0x10000;
	s11 =	simm.s32 $0x10800;
	s12 =	simm.s32 $0x11000  }
0x5: {  	s13 =	simm.s32 $0x11800;
	s14 =	simm.s32 $0x8000;
	s5 =	sand.u32 $0x1, s0  }
0x6: {  	s15 =	simm.s32 $0x0;
	s0 =	rddreg [dreg:$0x2];
	s6 =	ssub.s32 $0x2, s5  }
0x7: {  	[smem:$0x7FF] =	sst s4;
	s31 =	sshll.u32 s3, $0xF;
	s7 =	sshrl.u32 s6, $0x1  }
0x8: {  	s5 =	sshll.u32 s5, $0x6;
	_ =	strace $0x80000047;
	s6 =	ssub.s32 s6, s7  }
0x9: {  	v0 =	vimm.s32 $0x0;
	v1 =	vimm.s32 $0x1;
	v2 =	vimm.s32 $0x80000000;
	s5 =	sor.u32 s31, s5;
	s7 =	simm.s32 $0x80;
	s6 =	smax.u32 s6, $0x1  }
.LBB2_1:
0xa: {  	s16 =	simm.s32 $0x0  }
.LBB2_2:
0xb: {  	s17 =	sshll.u32 s16, $0x4  }
0xc: {  	s17 =	sadd.s32 s5, s17  }
0xd: {  	s18 =	sadd.s32 s1, s17  }
0xe: {  	[tilespmem:s4], [sflag:$0x1] =	stream.strided.gather [hbm4b:s18+s7], $0x8000, s8, s7, $0x38;
	[tilespmem:$0x14000] =	vst v63  }
0xf: {  	_ =	swait.ge [sflag:s9], $0x8000  }
0x10: {  	[sflag:s9] =	ssyncset.done $0x0  }
0x11: {  	s18 =	simm.s32 $0x12040;
	[sflag:s9] =	ssyncadd.s32 $0xFFFF8000  }
0x12: {  	[tilespmem:s18+$0xFFFFFFC0] =	vst v0  }
0x13: {  	[tilespmem:s18+$0x30] =	vst v0  }
0x14: {  	[tilespmem:s18+$0x20] =	vst v0  }
0x15: {  	[tilespmem:s18+$0x10] =	vst v0  }
0x16: {  	[tilespmem:s18+$0x0] =	vst v0  }
0x17: {  	[tilespmem:s18+$0xFFFFFFF0] =	vst v0  }
0x18: {  	s19 =	simm.s32 $0x0;
	[tilespmem:s18+$0xFFFFFFE0] =	vst v0  }
.LBB2_3:
0x19: {  	s19 =	sadd.s32 $0x8, s19;
	[tilespmem:s18+$0xFFFFFFD0] =	vst v0;
	s18 =	sadd.s32 $0x80, s18  }
0x1a: {  	[tilespmem:s18+$0xFFFFFFC0] =	vst v0;
	p0 =	slt.u32 s19, $0x1F8  }
0x1b: {  	[tilespmem:s18+$0x30] =	vst v0  }
.Ltmp0:
0x1c: {  	[tilespmem:s18+$0x20] =	vst v0;
	(pc) =	sbr.rel @p0 .LBB2_3-.Ltmp0, $4  }
0x1d: {  	[tilespmem:s18+$0x10] =	vst v0  }
0x1e: {  	[tilespmem:s18+$0x0] =	vst v0  }
0x1f: {  	[tilespmem:s18+$0xFFFFFFF0] =	vst v0  }
0x20: {  	[tilespmem:s18+$0xFFFFFFE0] =	vst v0  }
0x21: {  	[tilespmem:s18+$0xFFFFFFD0] =	vst v0;
	s18 =	simm.s32 $0x0;
	s19 =	simm.s32 $0x0;
	s20 =	simm.s32 $0x0  }
.LBB2_5:
0x22: {  	v3 =	vld [tilespmem:s19+$0x0];
	_ =	sdelay $0x4  }
0x23: {  	v4 =	vshra.s32 v3, $0x1F  }
0x24: {  	v4 =	vor.u32 $0x80000000, v4  }
0x25: {  	v3 =	vxor.u32 v3, v4  }
0x26: {  	v4 =	vand.u32 $0x7FF, v3;
	_ =	sdelay $0x3  }
0x27: {  	s21 =	simm.s32 $0x12000;
	[tilespmem:s19+$0x0] =	vst v3  }
0x28: {  	s22 =	sand.u32 $0x1FF0, s20;
	[tilespmem:v4+s21+$0x0] =	vst.idx.add.s32.msk $0xffff, v1  }
0x29: {  	v3 =	vld [tilespmem:s22+$0x2000];
	_ =	sdelay $0x4  }
0x2a: {  	v61 =	vshra.s32 v3, $0x1F  }
0x2b: {  	v4 =	vor.u32 $0x80000000, v61  }
0x2c: {  	v3 =	vxor.u32 v3, v4  }
0x2d: {  	v4 =	vand.u32 $0x7FF, v3  }
0x2e: {  	v4 =	vor.u32 $0x800, v4;
	_ =	sdelay $0x3  }
0x2f: {  	[tilespmem:s22+$0x2000] =	vst v3  }
0x30: {  	[tilespmem:v4+s21+$0x0] =	vst.idx.add.s32.msk $0xffff, v1  }
0x31: {  	v3 =	vld [tilespmem:s22+$0x4000];
	_ =	sdelay $0x4  }
0x32: {  	v62 =	vshra.s32 v3, $0x1F  }
0x33: {  	v4 =	vor.u32 $0x80000000, v62  }
0x34: {  	v3 =	vxor.u32 v3, v4  }
0x35: {  	v4 =	vand.u32 $0x7FF, v3  }
0x36: {  	v4 =	vor.u32 $0x1000, v4;
	_ =	sdelay $0x3  }
0x37: {  	[tilespmem:s22+$0x4000] =	vst v3  }
0x38: {  	[tilespmem:v4+s21+$0x0] =	vst.idx.add.s32.msk $0xffff, v1  }
0x39: {  	v3 =	vld [tilespmem:s22+$0x6000];
	_ =	sdelay $0x4  }
0x3a: {  	v63 =	vshra.s32 v3, $0x1F  }
0x3b: {  	v4 =	vor.u32 $0x80000000, v63  }
0x3c: {  	v3 =	vxor.u32 v3, v4  }
0x3d: {  	v4 =	vand.u32 $0x7FF, v3  }
0x3e: {  	p0 =	sne.s32 s20, $0x1FF0;
	v4 =	vor.u32 $0x1800, v4  }
.Ltmp1:
0x3f: {  	_ = 	snop;
	(pc) =	sbr.rel @p0 .LBB2_5-.Ltmp1, $3  }
0x40: {  	_ =	sdelay $0x1  }
0x41: {  	[tilespmem:s22+$0x6000] =	vst v3  }
0x42: {  	s20 =	sadd.s32 $0x10, s20;
	s19 =	sadd.s32 $0x10, s19;
	[tilespmem:v4+s21+$0x0] =	vst.idx.add.s32.msk $0xffff, v1  }
0x43: {  	v3 =	vld [tilespmem:s21+$0x0];
	s20 =	sand.u32 $0x7E0, s18  }
0x44: {  	v4 =	vld [tilespmem:s20+$0x12800]  }
0x45: {  	v5 =	vld [tilespmem:s20+$0x13000]  }
0x46: {  	v6 =	vld [tilespmem:s20+$0x13800];
	_ =	sdelay $0x2  }
0x47: {  	v7 =	vadd.s32 v3, v4  }
0x48: {  	v7 =	vadd.s32 v5, v7  }
0x49: {  	v6 =	vadd.s32 v6, v7  }
0x4a: {  	(xrf0) =	vadd.scan.msk.s32 $0xffff, v6;
	_ =	sdelay $0x5  }
0x4b: {  	v7, _, _ =	vpop (xrf0)  }
0x4c: {  	v6 =	vsub.s32 v7, v6  }
0x4d: {  	s22 =	simm.s32 $0x10010;
	v6 =	vadd.s32 s18, v6  }
0x4e: {  	[tilespmem:s22+$0xFFFFFFF0] =	vst v6  }
0x4f: {  	s23 =	simm.s32 $0x10810;
	v3 =	vadd.s32 v3, v6;
	[tilespmem:s21+$0x0] =	vst v0  }
0x50: {  	[tilespmem:s23+$0xFFFFFFF0] =	vst v3  }
0x51: {  	s19 =	simm.s32 $0x11010;
	v3 =	vadd.s32 v4, v3;
	[tilespmem:s20+$0x12800] =	vst v0  }
0x52: {  	[tilespmem:s19+$0xFFFFFFF0] =	vst v3  }
0x53: {  	s18 =	simm.s32 $0x11810;
	v3 =	vadd.s32 v5, v3;
	[tilespmem:s20+$0x13000] =	vst v0  }
0x54: {  	[tilespmem:s18+$0xFFFFFFF0] =	vst v3  }
0x55: {  	[tilespmem:s20+$0x13800] =	vst v0  }
0x56: {  	(v2sf) =	vpush v7, $0xF;
	v3 =	vld [tilespmem:s21+$0x10]  }
0x57: {  	v4 =	vld [tilespmem:s21+$0x810]  }
0x58: {  	v5 =	vld [tilespmem:s21+$0x1010]  }
0x59: {  	v6 =	vld [tilespmem:s21+$0x1810];
	_ =	sdelay $0x2  }
0x5a: {  	v7 =	vadd.s32 v3, v4  }
0x5b: {  	v7 =	vadd.s32 v5, v7  }
0x5c: {  	v6 =	vadd.s32 v6, v7  }
0x5d: {  	(xrf0) =	vadd.scan.msk.s32 $0xffff, v6;
	_ =	sdelay $0x5  }
0x5e: {  	s31 =	spop (v2sf);
	v7, _, _ =	vpop (xrf0)  }
0x5f: {  	s28 =	sadd.s32 $0x0, s31;
	v6 =	vsub.s32 v7, v6;
	(v2sf) =	vpush v7, $0xF  }
0x60: {  	v6 =	vadd.s32 s28, v6  }
0x61: {  	[tilespmem:s22+$0x0] =	vst v6  }
0x62: {  	v3 =	vadd.s32 v3, v6;
	[tilespmem:s21+$0x10] =	vst v0  }
0x63: {  	[tilespmem:s23+$0x0] =	vst v3  }
0x64: {  	v3 =	vadd.s32 v4, v3;
	[tilespmem:s21+$0x810] =	vst v0  }
0x65: {  	[tilespmem:s19+$0x0] =	vst v3  }
0x66: {  	v3 =	vadd.s32 v5, v3;
	[tilespmem:s21+$0x1010] =	vst v0  }
0x67: {  	s24 =	simm.s32 $0x20;
	s20 =	simm.s32 $0x12020;
	[tilespmem:s18+$0x0] =	vst v3  }
0x68: {  	s26 =	sand.u32 $0x7E0, s24;
	v4 =	vld [tilespmem:s20+$0x0];
	[tilespmem:s21+$0x1810] =	vst v0  }
0x69: {  	v5 =	vld [tilespmem:s26+$0x12800]  }
0x6a: {  	v3 =	vld [tilespmem:s26+$0x13000]  }
0x6b: {  	s25 =	simm.s32 $0x2;
	v6 =	vld [tilespmem:s26+$0x13800]  }
0x6c: {  	s22 =	simm.s32 $0x10830;
	s23 =	simm.s32 $0x10030;
	s21 =	simm.s32 $0x12020  }
.LBB2_7:
0x6d: {  	s25 =	sadd.s32 $0x2, s25;
	s18 =	sadd.s32 $0x20, s18;
	s19 =	sadd.s32 $0x20, s19  }
0x6e: {  	p0 =	slt.u32 s25, $0x7E;
	v7 =	vadd.s32 v4, v5;
	s29 =	spop (v2sf)  }
0x6f: {  	v7 =	vadd.s32 v3, v7;
	s28 =	sadd.s32 s28, s29  }
0x70: {  	v6 =	vadd.s32 v6, v7  }
0x71: {  	(xrf0) =	vadd.scan.msk.s32 $0xffff, v6;
	_ =	sdelay $0x5  }
0x72: {  	v7, _, _ =	vpop (xrf0)  }
0x73: {  	v6 =	vsub.s32 v7, v6;
	(v2sf) =	vpush v7, $0xF  }
0x74: {  	v6 =	vadd.s32 s28, v6  }
0x75: {  	[tilespmem:s23+$0xFFFFFFF0] =	vst v6  }
0x76: {  	v4 =	vadd.s32 v4, v6;
	[tilespmem:s20+$0x0] =	vst v0  }
0x77: {  	[tilespmem:s22+$0xFFFFFFF0] =	vst v4;
	v4 =	vadd.s32 v5, v4  }
0x78: {  	[tilespmem:s26+$0x12800] =	vst v0;
	v3 =	vadd.s32 v3, v4  }
0x79: {  	[tilespmem:s19+$0xFFFFFFF0] =	vst v4  }
0x7a: {  	[tilespmem:s26+$0x13000] =	vst v0  }
0x7b: {  	[tilespmem:s18+$0xFFFFFFF0] =	vst v3  }
0x7c: {  	[tilespmem:s26+$0x13800] =	vst v0  }
0x7d: {  	v3 =	vld [tilespmem:s20+$0x1010]  }
0x7e: {  	v4 =	vld [tilespmem:s20+$0x10]  }
0x7f: {  	v5 =	vld [tilespmem:s20+$0x810]  }
0x80: {  	v6 =	vld [tilespmem:s20+$0x1810];
	_ =	sdelay $0x1  }
0x81: {  	s26 =	spop (v2sf);
	_ =	sdelay $0x1  }
0x82: {  	v7 =	vadd.s32 v4, v5  }
0x83: {  	v7 =	vadd.s32 v3, v7  }
0x84: {  	v6 =	vadd.s32 v6, v7  }
0x85: {  	(xrf0) =	vadd.scan.msk.s32 $0xffff, v6;
	_ =	sdelay $0x5  }
0x86: {  	v7, _, _ =	vpop (xrf0)  }
0x87: {  	s28 =	sadd.s32 s28, s26;
	v6 =	vsub.s32 v7, v6;
	(v2sf) =	vpush v7, $0xF  }
0x88: {  	v6 =	vadd.s32 s28, v6  }
0x89: {  	[tilespmem:s23+$0x0] =	vst v6;
	v4 =	vadd.s32 v4, v6  }
0x8a: {  	[tilespmem:s20+$0x10] =	vst v0;
	v5 =	vadd.s32 v5, v4  }
0x8b: {  	[tilespmem:s22+$0x0] =	vst v4;
	v3 =	vadd.s32 v3, v5  }
0x8c: {  	[tilespmem:s20+$0x810] =	vst v0  }
0x8d: {  	[tilespmem:s19+$0x0] =	vst v5  }
0x8e: {  	[tilespmem:s20+$0x1010] =	vst v0  }
0x8f: {  	s24 =	sadd.s32 $0x20, s24;
	s20 =	sadd.s32 $0x20, s20;
	[tilespmem:s18+$0x0] =	vst v3  }
.Ltmp2:
0x90: {  	s26 =	sand.u32 $0x7E0, s24;
	v4 =	vld [tilespmem:s20+$0x0];
	[tilespmem:s21+$0x1810] =	vst v0;
	s21 =	smov.u32 s20;
	(pc) =	sbr.rel @p0 .LBB2_7-.Ltmp2, $4  }
0x91: {  	v5 =	vld [tilespmem:s26+$0x12800]  }
0x92: {  	v3 =	vld [tilespmem:s26+$0x13000]  }
0x93: {  	v6 =	vld [tilespmem:s26+$0x13800]  }
0x94: {  	s23 =	sadd.s32 $0x20, s23;
	s22 =	sadd.s32 $0x20, s22  }
0x95: {  	_ = 	snop  }
0x96: {  	v7 =	vadd.s32 v4, v5  }
0x97: {  	v7 =	vadd.s32 v3, v7  }
0x98: {  	v6 =	vadd.s32 v6, v7  }
0x99: {  	(xrf0) =	vadd.scan.msk.s32 $0xffff, v6;
	_ =	sdelay $0x5  }
0x9a: {  	s24 =	spop (v2sf);
	v57, _, _ =	vpop (xrf0)  }
0x9b: {  	s24 =	sadd.s32 s28, s24;
	v6 =	vsub.s32 v57, v6  }
0x9c: {  	v6 =	vadd.s32 s24, v6  }
0x9d: {  	[tilespmem:s23+$0xFFFFFFF0] =	vst v6  }
0x9e: {  	v58 =	vadd.s32 v4, v6;
	[tilespmem:s20+$0x0] =	vst v0  }
0x9f: {  	[tilespmem:s22+$0xFFFFFFF0] =	vst v58  }
0xa0: {  	s19 =	sadd.s32 $0x20, s19;
	v4 =	vadd.s32 v5, v58;
	[tilespmem:s26+$0x12800] =	vst v0  }
0xa1: {  	[tilespmem:s19+$0xFFFFFFF0] =	vst v4  }
0xa2: {  	s18 =	sadd.s32 $0x20, s18;
	v3 =	vadd.s32 v3, v4;
	[tilespmem:s26+$0x13000] =	vst v0  }
0xa3: {  	[tilespmem:s18+$0xFFFFFFF0] =	vst v3  }
0xa4: {  	[tilespmem:s26+$0x13800] =	vst v0  }
0xa5: {  	v3 =	vld [tilespmem:s20+$0x10]  }
0xa6: {  	v59 =	vld [tilespmem:s20+$0x810]  }
0xa7: {  	v60 =	vld [tilespmem:s20+$0x1010]  }
0xa8: {  	v61 =	vld [tilespmem:s20+$0x1810];
	_ =	sdelay $0x2  }
0xa9: {  	(v2sf) =	vpush v57, $0xF;
	v62 =	vadd.s32 v3, v59  }
0xaa: {  	v7 =	vadd.s32 v60, v62  }
0xab: {  	v6 =	vadd.s32 v61, v7  }
0xac: {  	(xrf0) =	vadd.scan.msk.s32 $0xffff, v6;
	_ =	sdelay $0x5  }
0xad: {  	v63, _, _ =	vpop (xrf0)  }
0xae: {  	(v2sf) =	vpush v63, $0xF;
	_ =	sdelay $0x4  }
0xaf: {  	s25 =	spop (v2sf)  }
0xb0: {  	s24 =	sadd.s32 s24, s25;
	v6 =	vsub.s32 v63, v6  }
0xb1: {  	v6 =	vadd.s32 s24, v6  }
0xb2: {  	[tilespmem:s23+$0x0] =	vst v6  }
0xb3: {  	v3 =	vadd.s32 v3, v6;
	[tilespmem:s20+$0x10] =	vst v0  }
0xb4: {  	[tilespmem:s22+$0x0] =	vst v3  }
0xb5: {  	v3 =	vadd.s32 v59, v3;
	[tilespmem:s20+$0x810] =	vst v0  }
0xb6: {  	[tilespmem:s19+$0x0] =	vst v3  }
0xb7: {  	v3 =	vadd.s32 v60, v3;
	[tilespmem:s20+$0x1010] =	vst v0  }
0xb8: {  	s19 =	simm.s32 $0x0;
	[tilespmem:s18+$0x0] =	vst v3  }
0xb9: {  	s20 =	simm.s32 $0x0;
	s18 =	simm.s32 $0x0;
	[tilespmem:s21+$0x1810] =	vst v0;
	s31 =	spop (v2sf)  }
.LBB2_9:
0xba: {  	v3 =	vld [tilespmem:s19+$0x0]  }
0xbb: {  	s21 =	sand.u32 $0x1FF0, s20  }
0xbc: {  	v4 =	vld [tilespmem:s21+$0x2000];
	_ =	sdelay $0x1  }
0xbd: {  	v5 =	vld [tilespmem:s21+$0x4000]  }
0xbe: {  	v7 =	vand.u32 $0x7FF, v3  }
0xbf: {  	v6 =	vld [tilespmem:s21+$0x6000];
	(xrf1) =	vunique.msk.u32 $0xffff, v7  }
0xc0: {  	v8 =	vand.u32 $0x7FF, v4  }
0xc1: {  	(xrf1) =	vunique.msk.u32 $0xffff, v8  }
0xc2: {  	v9 =	vand.u32 $0x7FF, v5  }
0xc3: {  	(xrf1) =	vunique.msk.u32 $0xffff, v9  }
0xc4: {  	v10 =	vand.u32 $0x7FF, v6  }
0xc5: {  	(xrf1) =	vunique.msk.u32 $0xffff, v10;
	_ =	sdelay $0x3  }
0xc6: {  	v11 =	vld.idx.msk [tilespmem:v7+s10+$0x0], $0xffff;
	_ =	sdelay $0x1  }
0xc7: {  	v12 =	vld.idx.msk [tilespmem:v8+s11+$0x0], $0xffff;
	_ =	sdelay $0x1  }
0xc8: {  	v13 =	vld.idx.msk [tilespmem:v9+s12+$0x0], $0xffff;
	_, v14, vm1 =	vpop (xrf1)  }
0xc9: {  	v11 =	vadd.s32 v14, v11  }
0xca: {  	v15 =	vld.idx.msk [tilespmem:v10+s13+$0x0], $0xffff;
	_, v48, vm2 =	vpop (xrf1);
	v16 =	vadd.s32 $0xFFFFFFFF, v11  }
0xcb: {  	v12 =	vadd.s32 v48, v12  }
0xcc: {  	_, v17, vm3 =	vpop (xrf1);
	v18 =	vadd.s32 $0xFFFFFFFF, v12  }
0xcd: {  	v51 =	vshrl.u32 v3, $0xB;
	v13 =	vadd.s32 v17, v13  }
0xce: {  	v54 =	vshrl.u32 v4, $0xB;
	v58 =	vshrl.u32 v5, $0xB;
	_, v49, vm0 =	vpop (xrf1);
	v50 =	vadd.s32 $0xFFFFFFFF, v13  }
0xcf: {  	v61 =	vshrl.u32 v6, $0xB;
	v19 =	vshra.s32 v16, $0x2;
	v14 =	vadd.s32 v49, v15;
	[tilespmem:v16+s14+$0x0] =	vst.idx.msk $0xffff, v3  }
0xd0: {  	v17 =	vand.u32 $0x7FF, v51;
	v52 =	vand.u32 $0xFFFFF800, v19;
	v3 =	vadd.s32 $0xFFFFFFFF, v14;
	[tilespmem:v7+s10+$0x0] =	vst.idx.msk vm1, v11  }
0xd1: {  	v60 =	vand.u32 $0x7FF, v58;
	v55 =	vshra.s32 v18, $0x2;
	v53 =	vor.u32 v17, v52;
	[tilespmem:v18+s14+$0x0] =	vst.idx.msk $0xffff, v4  }
0xd2: {  	v56 =	vand.u32 $0xFFFFF800, v55;
	v57 =	vshra.s32 v50, $0x2;
	v11 =	vand.u32 $0x7FF, v54;
	[tilespmem:v8+s11+$0x0] =	vst.idx.msk vm2, v12  }
0xd3: {  	v59 =	vand.u32 $0xFFFFF800, v57;
	v62 =	vshra.s32 v3, $0x2;
	v4 =	vor.u32 v11, v56;
	[tilespmem:v50+s14+$0x0] =	vst.idx.msk $0xffff, v5  }
0xd4: {  	v63 =	vand.u32 $0xFFFFF800, v62;
	v8 =	vand.u32 $0x7FF, v61;
	v5 =	vor.u32 v60, v59;
	[tilespmem:v9+s12+$0x0] =	vst.idx.msk vm3, v13  }
0xd5: {  	p0 =	sne.s32 s20, $0x1FF0;
	[tilespmem:v3+s14+$0x0] =	vst.idx.msk $0xffff, v6;
	v3 =	vor.u32 v8, v63  }
.Ltmp3:
0xd6: {  	s21 =	simm.s32 $0x12000;
	[tilespmem:v10+s13+$0x0] =	vst.idx.msk vm0, v14;
	(pc) =	sbr.rel @p0 .LBB2_9-.Ltmp3, $4  }
0xd7: {  	[tilespmem:v53+s21+$0x0] =	vst.idx.add.s32.msk $0xffff, v1  }
0xd8: {  	[tilespmem:v4+s21+$0x0] =	vst.idx.add.s32.msk $0xffff, v1  }
0xd9: {  	[tilespmem:v5+s21+$0x0] =	vst.idx.add.s32.msk $0xffff, v1  }
0xda: {  	s19 =	sadd.s32 $0x10, s19;
	s20 =	sadd.s32 $0x10, s20;
	[tilespmem:v3+s21+$0x0] =	vst.idx.add.s32.msk $0xffff, v1  }
0xdb: {  	v3 =	vld [tilespmem:s21+$0x0];
	s20 =	sand.u32 $0x7E0, s18  }
0xdc: {  	v4 =	vld [tilespmem:s20+$0x12800]  }
0xdd: {  	v5 =	vld [tilespmem:s20+$0x13000]  }
0xde: {  	v6 =	vld [tilespmem:s20+$0x13800];
	_ =	sdelay $0x2  }
0xdf: {  	v7 =	vadd.s32 v3, v4  }
0xe0: {  	v7 =	vadd.s32 v5, v7  }
0xe1: {  	v6 =	vadd.s32 v6, v7  }
0xe2: {  	(xrf0) =	vadd.scan.msk.s32 $0xffff, v6;
	_ =	sdelay $0x5  }
0xe3: {  	v7, _, _ =	vpop (xrf0)  }
0xe4: {  	v6 =	vsub.s32 v7, v6  }
0xe5: {  	s22 =	simm.s32 $0x10010;
	v6 =	vadd.s32 s18, v6  }
0xe6: {  	[tilespmem:s22+$0xFFFFFFF0] =	vst v6  }
0xe7: {  	s23 =	simm.s32 $0x10810;
	v3 =	vadd.s32 v3, v6;
	[tilespmem:s21+$0x0] =	vst v0  }
0xe8: {  	[tilespmem:s23+$0xFFFFFFF0] =	vst v3  }
0xe9: {  	s19 =	simm.s32 $0x11010;
	v3 =	vadd.s32 v4, v3;
	[tilespmem:s20+$0x12800] =	vst v0  }
0xea: {  	[tilespmem:s19+$0xFFFFFFF0] =	vst v3  }
0xeb: {  	s18 =	simm.s32 $0x11810;
	v3 =	vadd.s32 v5, v3;
	[tilespmem:s20+$0x13000] =	vst v0  }
0xec: {  	[tilespmem:s18+$0xFFFFFFF0] =	vst v3  }
0xed: {  	[tilespmem:s20+$0x13800] =	vst v0  }
0xee: {  	(v2sf) =	vpush v7, $0xF;
	v3 =	vld [tilespmem:s21+$0x10]  }
0xef: {  	v4 =	vld [tilespmem:s21+$0x810]  }
0xf0: {  	v5 =	vld [tilespmem:s21+$0x1010]  }
0xf1: {  	v6 =	vld [tilespmem:s21+$0x1810];
	_ =	sdelay $0x2  }
0xf2: {  	v7 =	vadd.s32 v3, v4  }
0xf3: {  	v7 =	vadd.s32 v5, v7  }
0xf4: {  	v6 =	vadd.s32 v6, v7  }
0xf5: {  	(xrf0) =	vadd.scan.msk.s32 $0xffff, v6;
	_ =	sdelay $0x5  }
0xf6: {  	s31 =	spop (v2sf);
	v7, _, _ =	vpop (xrf0)  }
0xf7: {  	s28 =	sadd.s32 $0x0, s31;
	v6 =	vsub.s32 v7, v6;
	(v2sf) =	vpush v7, $0xF  }
0xf8: {  	v6 =	vadd.s32 s28, v6  }
0xf9: {  	[tilespmem:s22+$0x0] =	vst v6  }
0xfa: {  	v3 =	vadd.s32 v3, v6;
	[tilespmem:s21+$0x10] =	vst v0  }
0xfb: {  	[tilespmem:s23+$0x0] =	vst v3  }
0xfc: {  	v3 =	vadd.s32 v4, v3;
	[tilespmem:s21+$0x810] =	vst v0  }
0xfd: {  	[tilespmem:s19+$0x0] =	vst v3  }
0xfe: {  	v3 =	vadd.s32 v5, v3;
	[tilespmem:s21+$0x1010] =	vst v0  }
0xff: {  	s24 =	simm.s32 $0x20;
	s20 =	simm.s32 $0x12020;
	[tilespmem:s18+$0x0] =	vst v3  }
0x100: {  	s26 =	sand.u32 $0x7E0, s24;
	v4 =	vld [tilespmem:s20+$0x0];
	[tilespmem:s21+$0x1810] =	vst v0  }
0x101: {  	v5 =	vld [tilespmem:s26+$0x12800]  }
0x102: {  	v3 =	vld [tilespmem:s26+$0x13000]  }
0x103: {  	s25 =	simm.s32 $0x2;
	v6 =	vld [tilespmem:s26+$0x13800]  }
0x104: {  	s22 =	simm.s32 $0x10830;
	s23 =	simm.s32 $0x10030;
	s21 =	simm.s32 $0x12020  }
.LBB2_11:
0x105: {  	s25 =	sadd.s32 $0x2, s25;
	s18 =	sadd.s32 $0x20, s18;
	s19 =	sadd.s32 $0x20, s19  }
0x106: {  	p0 =	slt.u32 s25, $0x7E;
	v7 =	vadd.s32 v4, v5;
	s29 =	spop (v2sf)  }
0x107: {  	v7 =	vadd.s32 v3, v7;
	s28 =	sadd.s32 s28, s29  }
0x108: {  	v6 =	vadd.s32 v6, v7  }
0x109: {  	(xrf0) =	vadd.scan.msk.s32 $0xffff, v6;
	_ =	sdelay $0x5  }
0x10a: {  	v7, _, _ =	vpop (xrf0)  }
0x10b: {  	v6 =	vsub.s32 v7, v6;
	(v2sf) =	vpush v7, $0xF  }
0x10c: {  	v6 =	vadd.s32 s28, v6  }
0x10d: {  	[tilespmem:s23+$0xFFFFFFF0] =	vst v6  }
0x10e: {  	v4 =	vadd.s32 v4, v6;
	[tilespmem:s20+$0x0] =	vst v0  }
0x10f: {  	[tilespmem:s22+$0xFFFFFFF0] =	vst v4;
	v4 =	vadd.s32 v5, v4  }
0x110: {  	[tilespmem:s26+$0x12800] =	vst v0;
	v3 =	vadd.s32 v3, v4  }
0x111: {  	[tilespmem:s19+$0xFFFFFFF0] =	vst v4  }
0x112: {  	[tilespmem:s26+$0x13000] =	vst v0  }
0x113: {  	[tilespmem:s18+$0xFFFFFFF0] =	vst v3  }
0x114: {  	[tilespmem:s26+$0x13800] =	vst v0  }
0x115: {  	v3 =	vld [tilespmem:s20+$0x1010]  }
0x116: {  	v4 =	vld [tilespmem:s20+$0x10]  }
0x117: {  	v5 =	vld [tilespmem:s20+$0x810]  }
0x118: {  	v6 =	vld [tilespmem:s20+$0x1810];
	_ =	sdelay $0x1  }
0x119: {  	s26 =	spop (v2sf);
	_ =	sdelay $0x1  }
0x11a: {  	v7 =	vadd.s32 v4, v5  }
0x11b: {  	v7 =	vadd.s32 v3, v7  }
0x11c: {  	v6 =	vadd.s32 v6, v7  }
0x11d: {  	(xrf0) =	vadd.scan.msk.s32 $0xffff, v6;
	_ =	sdelay $0x5  }
0x11e: {  	v7, _, _ =	vpop (xrf0)  }
0x11f: {  	s28 =	sadd.s32 s28, s26;
	v6 =	vsub.s32 v7, v6;
	(v2sf) =	vpush v7, $0xF  }
0x120: {  	v6 =	vadd.s32 s28, v6  }
0x121: {  	[tilespmem:s23+$0x0] =	vst v6;
	v4 =	vadd.s32 v4, v6  }
0x122: {  	[tilespmem:s20+$0x10] =	vst v0;
	v5 =	vadd.s32 v5, v4  }
0x123: {  	[tilespmem:s22+$0x0] =	vst v4;
	v3 =	vadd.s32 v3, v5  }
0x124: {  	[tilespmem:s20+$0x810] =	vst v0  }
0x125: {  	[tilespmem:s19+$0x0] =	vst v5  }
0x126: {  	[tilespmem:s20+$0x1010] =	vst v0  }
0x127: {  	s24 =	sadd.s32 $0x20, s24;
	s20 =	sadd.s32 $0x20, s20;
	[tilespmem:s18+$0x0] =	vst v3  }
.Ltmp4:
0x128: {  	s26 =	sand.u32 $0x7E0, s24;
	v4 =	vld [tilespmem:s20+$0x0];
	[tilespmem:s21+$0x1810] =	vst v0;
	s21 =	smov.u32 s20;
	(pc) =	sbr.rel @p0 .LBB2_11-.Ltmp4, $4  }
0x129: {  	v5 =	vld [tilespmem:s26+$0x12800]  }
0x12a: {  	v3 =	vld [tilespmem:s26+$0x13000]  }
0x12b: {  	v6 =	vld [tilespmem:s26+$0x13800]  }
0x12c: {  	s23 =	sadd.s32 $0x20, s23;
	s22 =	sadd.s32 $0x20, s22  }
0x12d: {  	_ = 	snop  }
0x12e: {  	v7 =	vadd.s32 v4, v5  }
0x12f: {  	v7 =	vadd.s32 v3, v7  }
0x130: {  	v6 =	vadd.s32 v6, v7  }
0x131: {  	(xrf0) =	vadd.scan.msk.s32 $0xffff, v6;
	_ =	sdelay $0x5  }
0x132: {  	s24 =	spop (v2sf);
	v57, _, _ =	vpop (xrf0)  }
0x133: {  	s24 =	sadd.s32 s28, s24;
	v6 =	vsub.s32 v57, v6  }
0x134: {  	v6 =	vadd.s32 s24, v6  }
0x135: {  	[tilespmem:s23+$0xFFFFFFF0] =	vst v6  }
0x136: {  	v58 =	vadd.s32 v4, v6;
	[tilespmem:s20+$0x0] =	vst v0  }
0x137: {  	[tilespmem:s22+$0xFFFFFFF0] =	vst v58  }
0x138: {  	s19 =	sadd.s32 $0x20, s19;
	v4 =	vadd.s32 v5, v58;
	[tilespmem:s26+$0x12800] =	vst v0  }
0x139: {  	[tilespmem:s19+$0xFFFFFFF0] =	vst v4  }
0x13a: {  	s18 =	sadd.s32 $0x20, s18;
	v3 =	vadd.s32 v3, v4;
	[tilespmem:s26+$0x13000] =	vst v0  }
0x13b: {  	[tilespmem:s18+$0xFFFFFFF0] =	vst v3  }
0x13c: {  	[tilespmem:s26+$0x13800] =	vst v0  }
0x13d: {  	v3 =	vld [tilespmem:s20+$0x10]  }
0x13e: {  	v59 =	vld [tilespmem:s20+$0x810]  }
0x13f: {  	v60 =	vld [tilespmem:s20+$0x1010]  }
0x140: {  	v61 =	vld [tilespmem:s20+$0x1810];
	_ =	sdelay $0x2  }
0x141: {  	(v2sf) =	vpush v57, $0xF;
	v62 =	vadd.s32 v3, v59  }
0x142: {  	v7 =	vadd.s32 v60, v62  }
0x143: {  	v6 =	vadd.s32 v61, v7  }
0x144: {  	(xrf0) =	vadd.scan.msk.s32 $0xffff, v6;
	_ =	sdelay $0x5  }
0x145: {  	v63, _, _ =	vpop (xrf0)  }
0x146: {  	(v2sf) =	vpush v63, $0xF;
	_ =	sdelay $0x4  }
0x147: {  	s25 =	spop (v2sf)  }
0x148: {  	s24 =	sadd.s32 s24, s25;
	v6 =	vsub.s32 v63, v6  }
0x149: {  	v6 =	vadd.s32 s24, v6  }
0x14a: {  	[tilespmem:s23+$0x0] =	vst v6  }
0x14b: {  	v3 =	vadd.s32 v3, v6;
	[tilespmem:s20+$0x10] =	vst v0  }
0x14c: {  	[tilespmem:s22+$0x0] =	vst v3  }
0x14d: {  	v3 =	vadd.s32 v59, v3;
	[tilespmem:s20+$0x810] =	vst v0  }
0x14e: {  	[tilespmem:s19+$0x0] =	vst v3  }
0x14f: {  	v3 =	vadd.s32 v60, v3;
	[tilespmem:s20+$0x1010] =	vst v0  }
0x150: {  	s19 =	simm.s32 $0x8000;
	[tilespmem:s18+$0x0] =	vst v3  }
0x151: {  	s20 =	simm.s32 $0x0;
	s18 =	simm.s32 $0x0;
	[tilespmem:s21+$0x1810] =	vst v0;
	s31 =	spop (v2sf)  }
.LBB2_13:
0x152: {  	v3 =	vld [tilespmem:s19+$0x0]  }
0x153: {  	s21 =	sand.u32 $0x1FF0, s20  }
0x154: {  	v4 =	vld [tilespmem:s21+$0xA000];
	_ =	sdelay $0x1  }
0x155: {  	v5 =	vld [tilespmem:s21+$0xC000]  }
0x156: {  	v7 =	vshrl.u32 v3, $0xB  }
0x157: {  	v6 =	vld [tilespmem:s21+$0xE000];
	v7 =	vand.u32 $0x7FF, v7  }
0x158: {  	v8 =	vshrl.u32 v4, $0xB;
	(xrf1) =	vunique.msk.u32 $0xffff, v7  }
0x159: {  	v8 =	vand.u32 $0x7FF, v8  }
0x15a: {  	v9 =	vshrl.u32 v5, $0xB;
	(xrf1) =	vunique.msk.u32 $0xffff, v8  }
0x15b: {  	v9 =	vand.u32 $0x7FF, v9  }
0x15c: {  	v10 =	vshrl.u32 v6, $0xB;
	(xrf1) =	vunique.msk.u32 $0xffff, v9  }
0x15d: {  	v10 =	vand.u32 $0x7FF, v10  }
0x15e: {  	(xrf1) =	vunique.msk.u32 $0xffff, v10;
	_ =	sdelay $0x3  }
0x15f: {  	v11 =	vld.idx.msk [tilespmem:v7+s10+$0x0], $0xffff;
	_ =	sdelay $0x1  }
0x160: {  	v12 =	vld.idx.msk [tilespmem:v8+s11+$0x0], $0xffff;
	_ =	sdelay $0x1  }
0x161: {  	v14 =	vld.idx.msk [tilespmem:v9+s12+$0x0], $0xffff;
	_, v13, vm0 =	vpop (xrf1)  }
0x162: {  	v11 =	vadd.s32 v11, v13  }
0x163: {  	v15 =	vld.idx.msk [tilespmem:v10+s13+$0x0], $0xffff;
	_, v54, vm1 =	vpop (xrf1);
	v16 =	vadd.s32 $0xFFFFFFFF, v11  }
0x164: {  	v12 =	vadd.s32 v12, v54  }
0x165: {  	_, v55, vm2 =	vpop (xrf1);
	v17 =	vadd.s32 $0xFFFFFFFF, v12  }
0x166: {  	v13 =	vadd.s32 v14, v55  }
0x167: {  	_, v18, vm3 =	vpop (xrf1);
	v57 =	vadd.s32 $0xFFFFFFFF, v13  }
0x168: {  	v58 =	vshra.s32 v16, $0x3;
	v56 =	vadd.s32 v15, v18;
	[tilespmem:v16+s18+$0x0] =	vst.idx.msk $0xffff, v3  }
0x169: {  	v59 =	vshra.s32 v17, $0x3;
	v18 =	vadd.s32 $0xFFFFFFFF, v56;
	v60 =	vshra.s32 v57, $0x3;
	[tilespmem:v7+s10+$0x0] =	vst.idx.msk vm0, v11  }
0x16a: {  	v61 =	vshra.s32 v18, $0x3;
	v3 =	vshrl.u32 v3, $0x16;
	v7 =	vand.u32 $0xFFFFFC00, v58;
	[tilespmem:v17+s18+$0x0] =	vst.idx.msk $0xffff, v4  }
0x16b: {  	v11 =	vand.u32 $0xFFFFFC00, v59;
	v4 =	vshrl.u32 v4, $0x16;
	v3 =	vor.u32 v3, v7;
	[tilespmem:v8+s11+$0x0] =	vst.idx.msk vm1, v12  }
0x16c: {  	v7 =	vand.u32 $0xFFFFFC00, v60;
	v4 =	vor.u32 v4, v11;
	[tilespmem:v57+s18+$0x0] =	vst.idx.msk $0xffff, v5;
	v5 =	vshrl.u32 v5, $0x16  }
0x16d: {  	v62 =	vshrl.u32 v6, $0x16;
	v8 =	vand.u32 $0xFFFFFC00, v61;
	[tilespmem:v9+s12+$0x0] =	vst.idx.msk vm2, v13;
	v5 =	vor.u32 v5, v7  }
0x16e: {  	p0 =	sne.s32 s20, $0x1FF0;
	v63 =	vor.u32 v62, v8;
	[tilespmem:v18+s18+$0x0] =	vst.idx.msk $0xffff, v6  }
.Ltmp5:
0x16f: {  	s21 =	simm.s32 $0x12000;
	[tilespmem:v10+s13+$0x0] =	vst.idx.msk vm3, v56;
	(pc) =	sbr.rel @p0 .LBB2_13-.Ltmp5, $4  }
0x170: {  	[tilespmem:v3+s21+$0x0] =	vst.idx.add.s32.msk $0xffff, v1  }
0x171: {  	[tilespmem:v4+s21+$0x0] =	vst.idx.add.s32.msk $0xffff, v1  }
0x172: {  	[tilespmem:v5+s21+$0x0] =	vst.idx.add.s32.msk $0xffff, v1  }
0x173: {  	s19 =	sadd.s32 $0x10, s19;
	s20 =	sadd.s32 $0x10, s20;
	[tilespmem:v63+s21+$0x0] =	vst.idx.add.s32.msk $0xffff, v1  }
0x174: {  	v3 =	vld [tilespmem:s21+$0x0];
	s20 =	sand.u32 $0x3E0, s18  }
0x175: {  	v4 =	vld [tilespmem:s20+$0x12400]  }
0x176: {  	v5 =	vld [tilespmem:s20+$0x12800]  }
0x177: {  	v6 =	vld [tilespmem:s20+$0x12C00];
	_ =	sdelay $0x2  }
0x178: {  	v7 =	vadd.s32 v3, v4  }
0x179: {  	v7 =	vadd.s32 v5, v7  }
0x17a: {  	v6 =	vadd.s32 v6, v7  }
0x17b: {  	(xrf0) =	vadd.scan.msk.s32 $0xffff, v6;
	_ =	sdelay $0x5  }
0x17c: {  	v7, _, _ =	vpop (xrf0)  }
0x17d: {  	v6 =	vsub.s32 v7, v6  }
0x17e: {  	s22 =	simm.s32 $0x10010;
	v6 =	vadd.s32 s18, v6  }
0x17f: {  	[tilespmem:s22+$0xFFFFFFF0] =	vst v6  }
0x180: {  	s23 =	simm.s32 $0x10810;
	v3 =	vadd.s32 v3, v6;
	[tilespmem:s21+$0x0] =	vst v0  }
0x181: {  	[tilespmem:s23+$0xFFFFFFF0] =	vst v3  }
0x182: {  	s19 =	simm.s32 $0x11010;
	v3 =	vadd.s32 v4, v3;
	[tilespmem:s20+$0x12400] =	vst v0  }
0x183: {  	[tilespmem:s19+$0xFFFFFFF0] =	vst v3  }
0x184: {  	s18 =	simm.s32 $0x11810;
	v3 =	vadd.s32 v5, v3;
	[tilespmem:s20+$0x12800] =	vst v0  }
0x185: {  	[tilespmem:s18+$0xFFFFFFF0] =	vst v3  }
0x186: {  	[tilespmem:s20+$0x12C00] =	vst v0  }
0x187: {  	(v2sf) =	vpush v7, $0xF;
	v3 =	vld [tilespmem:s21+$0x10]  }
0x188: {  	v4 =	vld [tilespmem:s21+$0x410]  }
0x189: {  	v5 =	vld [tilespmem:s21+$0x810]  }
0x18a: {  	v6 =	vld [tilespmem:s21+$0xC10];
	_ =	sdelay $0x2  }
0x18b: {  	v7 =	vadd.s32 v3, v4  }
0x18c: {  	v7 =	vadd.s32 v5, v7  }
0x18d: {  	v6 =	vadd.s32 v6, v7  }
0x18e: {  	(xrf0) =	vadd.scan.msk.s32 $0xffff, v6;
	_ =	sdelay $0x5  }
0x18f: {  	s31 =	spop (v2sf);
	v7, _, _ =	vpop (xrf0)  }
0x190: {  	s28 =	sadd.s32 $0x0, s31;
	v6 =	vsub.s32 v7, v6;
	(v2sf) =	vpush v7, $0xF  }
0x191: {  	v6 =	vadd.s32 s28, v6  }
0x192: {  	[tilespmem:s22+$0x0] =	vst v6  }
0x193: {  	v3 =	vadd.s32 v3, v6;
	[tilespmem:s21+$0x10] =	vst v0  }
0x194: {  	[tilespmem:s23+$0x0] =	vst v3  }
0x195: {  	v3 =	vadd.s32 v4, v3;
	[tilespmem:s21+$0x410] =	vst v0  }
0x196: {  	[tilespmem:s19+$0x0] =	vst v3  }
0x197: {  	v3 =	vadd.s32 v5, v3;
	[tilespmem:s21+$0x810] =	vst v0  }
0x198: {  	s24 =	simm.s32 $0x20;
	s20 =	simm.s32 $0x12020;
	[tilespmem:s18+$0x0] =	vst v3  }
0x199: {  	s26 =	sand.u32 $0x3E0, s24;
	v4 =	vld [tilespmem:s20+$0x0];
	[tilespmem:s21+$0xC10] =	vst v0  }
0x19a: {  	v5 =	vld [tilespmem:s26+$0x12400]  }
0x19b: {  	v3 =	vld [tilespmem:s26+$0x12800]  }
0x19c: {  	s25 =	simm.s32 $0x2;
	v6 =	vld [tilespmem:s26+$0x12C00]  }
0x19d: {  	s22 =	simm.s32 $0x10830;
	s23 =	simm.s32 $0x10030;
	s21 =	simm.s32 $0x12020  }
.LBB2_15:
0x19e: {  	s25 =	sadd.s32 $0x2, s25;
	s18 =	sadd.s32 $0x20, s18;
	s19 =	sadd.s32 $0x20, s19  }
0x19f: {  	p0 =	slt.u32 s25, $0x3E;
	v7 =	vadd.s32 v4, v5;
	s29 =	spop (v2sf)  }
0x1a0: {  	v7 =	vadd.s32 v3, v7;
	s28 =	sadd.s32 s28, s29  }
0x1a1: {  	v6 =	vadd.s32 v6, v7  }
0x1a2: {  	(xrf0) =	vadd.scan.msk.s32 $0xffff, v6;
	_ =	sdelay $0x5  }
0x1a3: {  	v7, _, _ =	vpop (xrf0)  }
0x1a4: {  	v6 =	vsub.s32 v7, v6;
	(v2sf) =	vpush v7, $0xF  }
0x1a5: {  	v6 =	vadd.s32 s28, v6  }
0x1a6: {  	[tilespmem:s23+$0xFFFFFFF0] =	vst v6  }
0x1a7: {  	v4 =	vadd.s32 v4, v6;
	[tilespmem:s20+$0x0] =	vst v0  }
0x1a8: {  	[tilespmem:s22+$0xFFFFFFF0] =	vst v4;
	v4 =	vadd.s32 v5, v4  }
0x1a9: {  	[tilespmem:s26+$0x12400] =	vst v0;
	v3 =	vadd.s32 v3, v4  }
0x1aa: {  	[tilespmem:s19+$0xFFFFFFF0] =	vst v4  }
0x1ab: {  	[tilespmem:s26+$0x12800] =	vst v0  }
0x1ac: {  	[tilespmem:s18+$0xFFFFFFF0] =	vst v3  }
0x1ad: {  	[tilespmem:s26+$0x12C00] =	vst v0  }
0x1ae: {  	v3 =	vld [tilespmem:s20+$0x810]  }
0x1af: {  	v4 =	vld [tilespmem:s20+$0x10]  }
0x1b0: {  	v5 =	vld [tilespmem:s20+$0x410]  }
0x1b1: {  	v6 =	vld [tilespmem:s20+$0xC10];
	_ =	sdelay $0x1  }
0x1b2: {  	s26 =	spop (v2sf);
	_ =	sdelay $0x1  }
0x1b3: {  	v7 =	vadd.s32 v4, v5  }
0x1b4: {  	v7 =	vadd.s32 v3, v7  }
0x1b5: {  	v6 =	vadd.s32 v6, v7  }
0x1b6: {  	(xrf0) =	vadd.scan.msk.s32 $0xffff, v6;
	_ =	sdelay $0x5  }
0x1b7: {  	v7, _, _ =	vpop (xrf0)  }
0x1b8: {  	s28 =	sadd.s32 s28, s26;
	v6 =	vsub.s32 v7, v6;
	(v2sf) =	vpush v7, $0xF  }
0x1b9: {  	v6 =	vadd.s32 s28, v6  }
0x1ba: {  	[tilespmem:s23+$0x0] =	vst v6;
	v4 =	vadd.s32 v4, v6  }
0x1bb: {  	[tilespmem:s20+$0x10] =	vst v0;
	v5 =	vadd.s32 v5, v4  }
0x1bc: {  	[tilespmem:s22+$0x0] =	vst v4;
	v3 =	vadd.s32 v3, v5  }
0x1bd: {  	[tilespmem:s20+$0x410] =	vst v0  }
0x1be: {  	[tilespmem:s19+$0x0] =	vst v5  }
0x1bf: {  	[tilespmem:s20+$0x810] =	vst v0  }
0x1c0: {  	s24 =	sadd.s32 $0x20, s24;
	s20 =	sadd.s32 $0x20, s20;
	[tilespmem:s18+$0x0] =	vst v3  }
.Ltmp6:
0x1c1: {  	s26 =	sand.u32 $0x3E0, s24;
	v4 =	vld [tilespmem:s20+$0x0];
	[tilespmem:s21+$0xC10] =	vst v0;
	s21 =	smov.u32 s20;
	(pc) =	sbr.rel @p0 .LBB2_15-.Ltmp6, $4  }
0x1c2: {  	v5 =	vld [tilespmem:s26+$0x12400]  }
0x1c3: {  	v3 =	vld [tilespmem:s26+$0x12800]  }
0x1c4: {  	v6 =	vld [tilespmem:s26+$0x12C00]  }
0x1c5: {  	s23 =	sadd.s32 $0x20, s23;
	s22 =	sadd.s32 $0x20, s22  }
0x1c6: {  	_ = 	snop  }
0x1c7: {  	v7 =	vadd.s32 v4, v5  }
0x1c8: {  	v7 =	vadd.s32 v3, v7  }
0x1c9: {  	v6 =	vadd.s32 v6, v7  }
0x1ca: {  	(xrf0) =	vadd.scan.msk.s32 $0xffff, v6;
	_ =	sdelay $0x5  }
0x1cb: {  	s24 =	spop (v2sf);
	v7, _, _ =	vpop (xrf0)  }
0x1cc: {  	s24 =	sadd.s32 s28, s24;
	v6 =	vsub.s32 v7, v6  }
0x1cd: {  	v6 =	vadd.s32 s24, v6  }
0x1ce: {  	[tilespmem:s23+$0xFFFFFFF0] =	vst v6  }
0x1cf: {  	v4 =	vadd.s32 v4, v6;
	[tilespmem:s20+$0x0] =	vst v0  }
0x1d0: {  	[tilespmem:s22+$0xFFFFFFF0] =	vst v4  }
0x1d1: {  	s19 =	sadd.s32 $0x20, s19;
	v4 =	vadd.s32 v5, v4;
	[tilespmem:s26+$0x12400] =	vst v0  }
0x1d2: {  	[tilespmem:s19+$0xFFFFFFF0] =	vst v4  }
0x1d3: {  	s18 =	sadd.s32 $0x20, s18;
	v3 =	vadd.s32 v3, v4;
	[tilespmem:s26+$0x12800] =	vst v0  }
0x1d4: {  	[tilespmem:s18+$0xFFFFFFF0] =	vst v3  }
0x1d5: {  	[tilespmem:s26+$0x12C00] =	vst v0  }
0x1d6: {  	(v2sf) =	vpush v7, $0xF;
	v3 =	vld [tilespmem:s20+$0x10]  }
0x1d7: {  	v4 =	vld [tilespmem:s20+$0x410]  }
0x1d8: {  	v5 =	vld [tilespmem:s20+$0x810]  }
0x1d9: {  	v6 =	vld [tilespmem:s20+$0xC10];
	_ =	sdelay $0x2  }
0x1da: {  	v7 =	vadd.s32 v3, v4  }
0x1db: {  	v7 =	vadd.s32 v5, v7  }
0x1dc: {  	v6 =	vadd.s32 v6, v7  }
0x1dd: {  	(xrf0) =	vadd.scan.msk.s32 $0xffff, v6;
	_ =	sdelay $0x5  }
0x1de: {  	s25 =	spop (v2sf);
	v7, _, _ =	vpop (xrf0)  }
0x1df: {  	s24 =	sadd.s32 s24, s25;
	v6 =	vsub.s32 v7, v6  }
0x1e0: {  	v6 =	vadd.s32 s24, v6  }
0x1e1: {  	[tilespmem:s23+$0x0] =	vst v6  }
0x1e2: {  	v3 =	vadd.s32 v3, v6;
	[tilespmem:s20+$0x10] =	vst v0  }
0x1e3: {  	[tilespmem:s22+$0x0] =	vst v3  }
0x1e4: {  	v3 =	vadd.s32 v4, v3;
	[tilespmem:s20+$0x410] =	vst v0  }
0x1e5: {  	[tilespmem:s19+$0x0] =	vst v3  }
0x1e6: {  	v3 =	vadd.s32 v5, v3;
	[tilespmem:s20+$0x810] =	vst v0  }
0x1e7: {  	[tilespmem:s18+$0x0] =	vst v3  }
0x1e8: {  	s18 =	simm.s32 $0x0;
	[tilespmem:s21+$0xC10] =	vst v0  }
0x1e9: {  	v4 =	vld [tilespmem:s18+$0x0]  }
0x1ea: {  	s30 =	sand.u32 $0x1FF0, s18  }
0x1eb: {  	v5 =	vld [tilespmem:s30+$0x2000];
	_ =	sdelay $0x1  }
0x1ec: {  	v6 =	vld [tilespmem:s30+$0x4000]  }
0x1ed: {  	v8 =	vshrl.u32 v4, $0x16  }
0x1ee: {  	v9 =	vld [tilespmem:s30+$0x6000];
	(xrf1) =	vunique.msk.u32 $0xffff, v8  }
0x1ef: {  	v10 =	vshrl.u32 v5, $0x16  }
0x1f0: {  	(xrf1) =	vunique.msk.u32 $0xffff, v10  }
0x1f1: {  	v11 =	vshrl.u32 v6, $0x16  }
0x1f2: {  	(xrf1) =	vunique.msk.u32 $0xffff, v11  }
0x1f3: {  	v3 =	vshrl.u32 v9, $0x16  }
0x1f4: {  	(xrf1) =	vunique.msk.u32 $0xffff, v3;
	_ =	sdelay $0x3  }
0x1f5: {  	v12 =	vld.idx.msk [tilespmem:v8+s10+$0x0], $0xffff;
	_ =	sdelay $0x1  }
0x1f6: {  	(v2sf) =	vpush v7, $0xF;
	v7 =	vld.idx.msk [tilespmem:v10+s11+$0x0], $0xffff;
	_ =	sdelay $0x1  }
0x1f7: {  	v13 =	vld.idx.msk [tilespmem:v11+s12+$0x0], $0xffff;
	_, v14, vm1 =	vpop (xrf1)  }
0x1f8: {  	v12 =	vadd.s32 v14, v12  }
0x1f9: {  	v59 =	vld.idx.msk [tilespmem:v3+s13+$0x0], $0xffff;
	_, v16, vm2 =	vpop (xrf1);
	v15 =	vadd.s32 $0xFFFFFFFF, v12  }
0x1fa: {  	v7 =	vadd.s32 v16, v7  }
0x1fb: {  	vm0 =	vgt.s32 v4, $0xFFFFFFFF;
	_, v17, vm3 =	vpop (xrf1);
	v16 =	vadd.s32 $0xFFFFFFFF, v7  }
0x1fc: {  	v18 =	vsel vm0, $0xFFFFFFFF, v2;
	v13 =	vadd.s32 v17, v13  }
0x1fd: {  	vm4 =	vgt.s32 v5, $0xFFFFFFFF;
	v60 =	vxor.u32 v4, v18;
	_, v4, vm0 =	vpop (xrf1);
	v61 =	vadd.s32 $0xFFFFFFFF, v13  }
0x1fe: {  	v19 =	vsel vm4, $0xFFFFFFFF, v2;
	v4 =	vadd.s32 v4, v59;
	[tilespmem:v15+s14+$0x0] =	vst.idx.msk $0xffff, v60  }
0x1ff: {  	p0 =	por $0x1, $0x1;
	v5 =	vxor.u32 v5, v19;
	v62 =	vadd.s32 $0xFFFFFFFF, v4;
	[tilespmem:v8+s10+$0x0] =	vst.idx.msk vm1, v12;
	vm1 =	vgt.s32 v6, $0xFFFFFFFF  }
.Ltmp7:
0x200: {  	v63 =	vsel vm1, $0xFFFFFFFF, v2;
	[tilespmem:v16+s14+$0x0] =	vst.idx.msk $0xffff, v5;
	(pc) =	sbr.rel @!p0 .LBB2_18-.Ltmp7, $4  }
0x201: {  	vm1 =	vgt.s32 v9, $0xFFFFFFFF;
	v5 =	vxor.u32 v6, v63;
	[tilespmem:v10+s11+$0x0] =	vst.idx.msk vm2, v7  }
0x202: {  	v6 =	vsel vm1, $0xFFFFFFFF, v2;
	[tilespmem:v61+s14+$0x0] =	vst.idx.msk $0xffff, v5  }
0x203: {  	v5 =	vxor.u32 v9, v6;
	[tilespmem:v11+s12+$0x0] =	vst.idx.msk vm3, v13  }
0x204: {  	s19 =	simm.s32 $0x10;
	s31 =	spop (v2sf);
	[tilespmem:v62+s14+$0x0] =	vst.idx.msk $0xffff, v5  }
.LBB2_17:
0x205: {  	p0 =	sne.s32 s19, $0x1FF0  }
0x206: {  	[tilespmem:v3+s13+$0x0] =	vst.idx.msk vm0, v4;
	s18 =	sadd.s32 $0x10, s18;
	s20 =	smov.u32 s19;
	s19 =	sadd.s32 $0x10, s19  }
0x207: {  	v3 =	vld [tilespmem:s18+$0x0]  }
0x208: {  	s20 =	sand.u32 $0x1FF0, s20  }
0x209: {  	v4 =	vld [tilespmem:s20+$0x2000];
	_ =	sdelay $0x1  }
0x20a: {  	v5 =	vld [tilespmem:s20+$0x4000]  }
0x20b: {  	v6 =	vshrl.u32 v3, $0x16;
	vm0 =	vgt.s32 v3, $0xFFFFFFFF  }
0x20c: {  	v7 =	vld [tilespmem:s20+$0x6000];
	v8 =	vsel vm0, $0xFFFFFFFF, v2;
	(xrf1) =	vunique.msk.u32 $0xffff, v6  }
0x20d: {  	v9 =	vshrl.u32 v4, $0x16;
	v8 =	vxor.u32 v3, v8;
	vm0 =	vgt.s32 v4, $0xFFFFFFFF  }
0x20e: {  	v3 =	vsel vm0, $0xFFFFFFFF, v2;
	(xrf1) =	vunique.msk.u32 $0xffff, v9  }
0x20f: {  	v10 =	vshrl.u32 v5, $0x16;
	v11 =	vxor.u32 v4, v3;
	vm0 =	vgt.s32 v5, $0xFFFFFFFF  }
0x210: {  	v4 =	vsel vm0, $0xFFFFFFFF, v2;
	(xrf1) =	vunique.msk.u32 $0xffff, v10  }
0x211: {  	v3 =	vshrl.u32 v7, $0x16;
	v5 =	vxor.u32 v5, v4;
	vm0 =	vgt.s32 v7, $0xFFFFFFFF  }
0x212: {  	v4 =	vsel vm0, $0xFFFFFFFF, v2;
	(xrf1) =	vunique.msk.u32 $0xffff, v3  }
0x213: {  	v7 =	vxor.u32 v7, v4;
	_ =	sdelay $0x1  }
0x214: {  	v4 =	vld.idx.msk [tilespmem:v6+s10+$0x0], $0xffff;
	_ =	sdelay $0x1  }
0x215: {  	v12 =	vld.idx.msk [tilespmem:v9+s11+$0x0], $0xffff;
	_ =	sdelay $0x1  }
0x216: {  	v13 =	vld.idx.msk [tilespmem:v10+s12+$0x0], $0xffff  }
0x217: {  	_, v14, vm1 =	vpop (xrf1)  }
0x218: {  	v15 =	vld.idx.msk [tilespmem:v3+s13+$0x0], $0xffff;
	v14 =	vadd.s32 v14, v4  }
0x219: {  	v16 =	vadd.s32 $0xFFFFFFFF, v14;
	_, v4, vm2 =	vpop (xrf1)  }
0x21a: {  	v12 =	vadd.s32 v4, v12  }
0x21b: {  	v17 =	vadd.s32 $0xFFFFFFFF, v12;
	_, v4, vm3 =	vpop (xrf1)  }
0x21c: {  	v13 =	vadd.s32 v4, v13  }
0x21d: {  	v18 =	vadd.s32 $0xFFFFFFFF, v13;
	_, v4, vm0 =	vpop (xrf1)  }
0x21e: {  	v4 =	vadd.s32 v4, v15;
	[tilespmem:v16+s14+$0x0] =	vst.idx.msk $0xffff, v8  }
0x21f: {  	v8 =	vadd.s32 $0xFFFFFFFF, v4;
	[tilespmem:v6+s10+$0x0] =	vst.idx.msk vm1, v14  }
.Ltmp8:
0x220: {  	[tilespmem:v17+s14+$0x0] =	vst.idx.msk $0xffff, v11;
	(pc) =	sbr.rel @p0 .LBB2_17-.Ltmp8, $4  }
0x221: {  	[tilespmem:v9+s11+$0x0] =	vst.idx.msk vm2, v12  }
0x222: {  	[tilespmem:v18+s14+$0x0] =	vst.idx.msk $0xffff, v5  }
0x223: {  	[tilespmem:v10+s12+$0x0] =	vst.idx.msk vm3, v13  }
0x224: {  	[tilespmem:v8+s14+$0x0] =	vst.idx.msk $0xffff, v7  }
.LBB2_18:
0x225: {  	_ =	sdelay $0x2  }
0x226: {  	s16 =	sadd.s32 $0x1, s16  }
0x227: {  	p0 =	sne.s32 s16, $0x4  }
.Ltmp9:
0x228: {  	[tilespmem:v3+s13+$0x0] =	vst.idx.msk vm0, v4;
	s17 =	sadd.s32 s2, s17;
	(pc) =	sbr.rel @p0 .LBB2_2-.Ltmp9, $4  }
0x229: {  	[hbm4b:s17+s7] =	stream.strided.scatter [tilespmem:s14], [sflag:$0x1], $0x8000, s8, s7, $0x38;
	[tilespmem:$0x14000] =	vst v63  }
0x22a: {  	_ =	swait.ge [sflag:s9], $0x8000  }
0x22b: {  	[sflag:s9] =	ssyncset.done $0x0  }
0x22c: {  	[sflag:s9] =	ssyncadd.s32 $0xFFFF8000  }
0x22d: {  	s15 =	sadd.s32 $0x1, s15  }
0x22e: {  	p0 =	sne.s32 s15, s6  }
.Ltmp10:
0x22f: {  	_ = 	snop;
	(pc) =	sbr.rel @p0 .LBB2_1-.Ltmp10, $1  }
0x230: {  	_ =	sdelay $0x3  }
0x231: {  	_ =	sfence.sel $0x180000  }
0x232: {  	[bflag:$0x0] =	sbarrier.arrive $0xFFFF  }
0x233: {  	p0 =	sne.s32 s3, $0x0;
	_ =	strace $0x90000047  }
0x234: {  	s0 =	sadd.s32 @!p0 $0x100000, s0;
	[bflag:$0x2] =	sbarrier.arrive $0xFFFF  }
0x235: {  	[sflag:s0] =	ssyncadd.tile.s32 @!p0 $0x1;
	_ =	shalt  }
.Lfunc_end2:
_tile_overlayer_lowered:
.L_overlay_start_2:
0x236: {  	(tag) =	ssettag $0x2  }
0x237: {  	s0 =	rddreg [dreg:$0x0];
	s2 =	stileid.u32  }
0x238: {  	s1 =	rddreg [dreg:$0x1];
	p0 =	sne.s32 s2, $0x0  }
0x239: {  	s3 =	rddreg [dreg:$0x2];
	[bflag:$0x3] =	sbarrier.arrive $0xFFFF;
	s2 =	simm.s32 @!p0 $0x1C01  }
0x23a: {  	[timem:s3], [sflag:s2] =	dma.local @!p0 [hbm:s0], s1  }
0x23b: {  	s0 =	simm.s32 @!p0 $0x1  }
0x23c: {  	_ =	swait.ge @!p0 [sflag:s0], s1  }
0x23d: {  	s1 =	ssub.s32 @!p0 $0x0, s1;
	[sflag:s0] =	ssyncset.done @!p0 $0x0  }
0x23e: {  	[sflag:s0] =	ssyncadd.s32 @!p0 s1  }
0x23f: {  	[bflag:$0x3] =	sbarrier.arrive $0xFFFF  }
0x240: {  	_ =	shalt  }

</sc_bundles>
